<compile_context>
chip_gen: v7x
topology: tpu7x:2x2x1
jax: 0.10.2.dev20260603
libtpu: 0.0.44.dev20260713+nightly
codegen_flags: <defaults>
</compile_context>

<pallas_src>
import jax
import jax.numpy as jnp
from jax import lax
from jax.experimental import pallas as pl
from jax.experimental.pallas import tpu as pltpu
from jax.experimental.pallas import tpu_sc as plsc

NCLS = 3
NPIX = 512 * 512
NROWS = 16 * NCLS
NBINS = 2048
SCALE = 32.0
INV_SCALE = 1.0 / SCALE
NSTAT = 4
NREP = 4
HSIZE1 = NCLS * NSTAT * NBINS
HSIZE = NREP * HSIZE1
CHUNK = 4096
LANES = 16
NSUB = 32
HALF = NPIX // 2
NCHUNK = HALF // CHUNK
NSTEP = NCLS * NCHUNK
NPAIR = NSTEP // 2


def _sc_hist(pred_hbm, tgt_hbm, hist_out, hist_v,
             pbuf0, tbuf0, pbuf1, tbuf1, sp0, st0, sp1, st1):
    wid = lax.axis_index("s") * 2 + lax.axis_index("c")
    batch = wid // 2
    base = (wid % 2) * HALF
    ones = jnp.full((LANES,), 1.0, jnp.float32)

    def zero_body(i, carry):
        hist_v[pl.ds(i * LANES, LANES)] = jnp.zeros((LANES,), jnp.float32)
        return carry

    lax.fori_loop(0, HSIZE // LANES, zero_body, 0)

    def addr(step):
        c = step // NCHUNK
        k = step % NCHUNK
        row = batch * NCLS + c
        start = pl.multiple_of(base + k * CHUNK, CHUNK)
        return c, row, start

    def start_dma(step, pb, tb, sp, st):
        _, row, start = addr(step)
        pltpu.async_copy(pred_hbm.at[row, pl.ds(start, CHUNK)], pb, sp)
        pltpu.async_copy(tgt_hbm.at[row, pl.ds(start, CHUNK)], tb, st)

    def wait_dma(step, pb, tb, sp, st):
        _, row, start = addr(step)
        pltpu.make_async_copy(pred_hbm.at[row, pl.ds(start, CHUNK)], pb, sp).wait()
        pltpu.make_async_copy(tgt_hbm.at[row, pl.ds(start, CHUNK)], tb, st).wait()

    rep_off = (lax.iota(jnp.int32, LANES) % NREP) * HSIZE1

    def process(step, pb, tb):
        c = step // NCHUNK
        c4n = c * (NSTAT * NBINS)
        cbase = rep_off + c4n

        @plsc.parallel_loop(0, CHUNK // LANES, unroll=4)
        def body(i):
            p16 = pb[pl.ds(i * LANES, LANES)]
            t16 = tb[pl.ds(i * LANES, LANES)]
            e = 1.0 - p16 * (2.0 * t16 - 1.0)
            ep = jnp.maximum(e, 0.0)
            ec = jnp.minimum(ep * SCALE, float(NBINS - 1))
            idx = ec.astype(jnp.int32)
            lo = idx.astype(jnp.float32) * INV_SCALE
            dd = ep - lo
            icnt = idx + t16.astype(jnp.int32) * NBINS + cbase
            plsc.addupdate_scatter(hist_v, [icnt], ones)
            plsc.addupdate_scatter(hist_v, [icnt + 2 * NBINS], dd)

    start_dma(0, pbuf0, tbuf0, sp0, st0)

    def pair_body(j, carry):
        s0 = j * 2
        start_dma(s0 + 1, pbuf1, tbuf1, sp1, st1)
        wait_dma(s0, pbuf0, tbuf0, sp0, st0)
        process(s0, pbuf0, tbuf0)

        @pl.when(j < NPAIR - 1)
        def _():
            start_dma(s0 + 2, pbuf0, tbuf0, sp0, st0)

        wait_dma(s0 + 1, pbuf1, tbuf1, sp1, st1)
        process(s0 + 1, pbuf1, tbuf1)
        return carry

    lax.fori_loop(0, NPAIR, pair_body, 0)
    pltpu.sync_copy(hist_v, hist_out.at[wid])


_hist_call = pl.kernel(
    _sc_hist,
    out_type=jax.ShapeDtypeStruct((NSUB, HSIZE), jnp.float32),
    mesh=plsc.VectorSubcoreMesh(core_axis_name="c", subcore_axis_name="s"),
    compiler_params=pltpu.CompilerParams(needs_layout_passes=False),
    scratch_types=[
        pltpu.VMEM((HSIZE,), jnp.float32),
        pltpu.VMEM((CHUNK,), jnp.float32),
        pltpu.VMEM((CHUNK,), jnp.float32),
        pltpu.VMEM((CHUNK,), jnp.float32),
        pltpu.VMEM((CHUNK,), jnp.float32),
        pltpu.SemaphoreType.DMA,
        pltpu.SemaphoreType.DMA,
        pltpu.SemaphoreType.DMA,
        pltpu.SemaphoreType.DMA,
    ],
)


def _tc_fin(hist_ref, cw_ref, out_ref):
    hp = lax.Precision.HIGHEST
    hs = jnp.sum(hist_ref[...], axis=0)

    i128a = lax.broadcasted_iota(jnp.int32, (128, 128), 0)
    i128b = lax.broadcasted_iota(jnp.int32, (128, 128), 1)
    u_le = jnp.where(i128a <= i128b, 1.0, 0.0)
    i16a = lax.broadcasted_iota(jnp.int32, (16, 16), 0)
    i16b = lax.broadcasted_iota(jnp.int32, (16, 16), 1)
    l_lt = jnp.where(i16b < i16a, 1.0, 0.0)

    def suffix(x):
        within = jnp.dot(x, u_le, precision=hp)
        rowtot = jnp.sum(x, axis=1, keepdims=True)
        rowpre = jnp.dot(l_lt, rowtot, precision=hp)
        return jnp.sum(x) - (within + rowpre)

    total = jnp.float32(0.0)
    for c in range(NCLS):
        cnt_n = hs[c * NSTAT + 0]
        cnt_p = hs[c * NSTAT + 1]
        sum_n = hs[c * NSTAT + 2]
        sum_p = hs[c * NSTAT + 3]
        cnt = cnt_n + cnt_p
        s_i = sum_n + sum_p
        g_c = jnp.sum(cnt_p)
        k_hi = suffix(cnt)
        p_hi = suffix(cnt_p)
        a = g_c - p_hi
        b = g_c + k_hi - p_hi
        valid = b > 0.5
        inv = 1.0 / jnp.maximum(b, 1.0)
        f0 = jnp.where(valid, 1.0 - a * inv, 0.0)
        corr = jnp.where(valid, inv * inv * (a * s_i + (b - a) * sum_p), 0.0)
        total = total + cw_ref[c] * jnp.sum(INV_SCALE * f0 + corr)
    out_ref[0, 0] = total


_fin_call = pl.pallas_call(
    _tc_fin,
    out_shape=jax.ShapeDtypeStruct((1, 1), jnp.float32),
    in_specs=[
        pl.BlockSpec(memory_space=pltpu.VMEM),
        pl.BlockSpec(memory_space=pltpu.SMEM),
    ],
    out_specs=pl.BlockSpec(memory_space=pltpu.SMEM),
)


def kernel(pred, target, class_weights):
    predr = pred.reshape(NROWS, NPIX)
    tgtr = target.reshape(NROWS, NPIX)
    hist = _hist_call(predr, tgtr)
    hist4 = hist.reshape(NSUB * NREP, NCLS * NSTAT, 16, 128)
    loss = _fin_call(hist4, class_weights)
    return loss.reshape(())

# --- scband reference (transcript-rebuilt; emitter-appended) ---
"""Pipeline reference for scband-weighted-lovasz-loss-558345749148 (READ-ONLY COPY).

The authoritative reference and input builder live on the scoring server;
editing this copy changes nothing except your own understanding.
"""

import jax, jax.numpy as jnp
import numpy as np

NUM_CLASSES = 3


def setup_inputs(seed: int = 0) -> dict:
    key = jax.random.key(seed)
    k1, k2 = jax.random.split(key)
    pred = jax.random.normal(k1, (16, NUM_CLASSES, 512, 512), dtype=jnp.float32)
    target = jax.random.randint(k2, (16, NUM_CLASSES, 512, 512), 0, 2).astype(jnp.float32)
    cw = jnp.array([0.1, 0.9, 0.7], dtype=jnp.float32)
    cw = cw / cw.sum()
    return {"pred": pred, "target": target, "class_weights": cw}


def lovasz_grad(gt_sorted):
    gts = gt_sorted.sum()
    intersection = gts - jnp.cumsum(gt_sorted, axis=0)
    union = gts + jnp.cumsum(1.0 - gt_sorted, axis=0)
    jaccard = 1.0 - intersection / union
    jaccard = jnp.concatenate([jaccard[:1], jaccard[1:] - jaccard[:-1]], axis=0)
    return jaccard


def lovasz_hinge_flat(logits, labels):
    signs = 2.0 * labels - 1.0
    errors = 1.0 - logits * signs
    perm = jnp.argsort(-errors)
    errors_sorted = errors[perm]
    gt_sorted = labels[perm]
    grad = lovasz_grad(gt_sorted)
    return jnp.dot(jax.nn.relu(errors_sorted), grad)


def reference(pred, target, class_weights):
    total_loss = 0.0
    for c in range(NUM_CLASSES):
        lovasz = lovasz_hinge_flat(pred[:, c].reshape(-1), target[:, c].reshape(-1))
        total_loss = total_loss + class_weights[c] * lovasz
    return total_loss

if __name__ == "__main__":
    import jax
    _d = setup_inputs()
    print(jax.jit(kernel)(*tuple(_d.values())))

</pallas_src>

<mosaic_0001>
#map = affine_map<(d0, d1) -> (0, 0)>
module attributes {stable_mosaic.version = 14 : i64} {
  func.func @_sc_hist(%arg0: i32, %arg1: i32, %arg2: memref<48x262144xf32, #tpu.memory_space<hbm>>, %arg3: memref<48x262144xf32, #tpu.memory_space<hbm>>, %arg4: memref<32x98304xf32, #tpu.memory_space<hbm>>, %arg5: memref<98304xf32, #tpu.memory_space<vmem>>, %arg6: memref<4096xf32, #tpu.memory_space<vmem>>, %arg7: memref<4096xf32, #tpu.memory_space<vmem>>, %arg8: memref<4096xf32, #tpu.memory_space<vmem>>, %arg9: memref<4096xf32, #tpu.memory_space<vmem>>, %arg10: memref<!tpu.dma_semaphore, #tpu.memory_space<semaphore_mem>>, %arg11: memref<!tpu.dma_semaphore, #tpu.memory_space<semaphore_mem>>, %arg12: memref<!tpu.dma_semaphore, #tpu.memory_space<semaphore_mem>>, %arg13: memref<!tpu.dma_semaphore, #tpu.memory_space<semaphore_mem>>) attributes {dimension_semantics = [#tpu.dimension_semantics<core_parallel>, #tpu.dimension_semantics<subcore_parallel>], iteration_bounds = array<i64: 2, 16>, scalar_prefetch = 0 : i64, scratch_operands = 9 : i64, tpu.core_type = #tpu.core_type<sc_vector_subcore>, window_params = [{transform_indices = #map}, {transform_indices = #map}, {transform_indices = #map}]} {
    %mul3A = arith.constant 2 : i32
    %mul3A_0 = arith.muli %arg1, %mul3A : i32
    %add3A = arith.addi %mul3A_0, %arg0 : i32
    %jit3A = arith.constant 2 : i32
    %div3A = arith.divsi %add3A, %jit3A : i32
    %sign3A = arith.constant 0 : i32
    %sign3A_1 = arith.cmpi sgt, %add3A, %sign3A : i32
    %sign3A_2 = arith.extui %sign3A_1 : i1 to i32
    %sign3A_3 = arith.constant 0 : i32
    %sign3A_4 = arith.cmpi slt, %add3A, %sign3A_3 : i32
    %sign3A_5 = arith.extui %sign3A_4 : i1 to i32
    %sign3A_6 = arith.subi %sign3A_2, %sign3A_5 : i32
    %sign3A_7 = arith.constant 0 : i32
    %sign3A_8 = arith.cmpi sgt, %jit3A, %sign3A_7 : i32
    %sign3A_9 = arith.extui %sign3A_8 : i1 to i32
    %sign3A_10 = arith.constant 0 : i32
    %sign3A_11 = arith.cmpi slt, %jit3A, %sign3A_10 : i32
    %sign3A_12 = arith.extui %sign3A_11 : i1 to i32
    %sign3A_13 = arith.subi %sign3A_9, %sign3A_12 : i32
    %ne3A = arith.cmpi ne, %sign3A_6, %sign3A_13 : i32
    %rem3A = arith.remsi %add3A, %jit3A : i32
    %ne3A_14 = arith.constant 0 : i32
    %ne3A_15 = arith.cmpi ne, %rem3A, %ne3A_14 : i32
    %and3A = arith.andi %ne3A, %ne3A_15 : i1
    %sub3A = arith.constant 1 : i32
    %sub3A_16 = arith.subi %div3A, %sub3A : i32
    %select_n3A = arith.select %and3A, %sub3A_16, %div3A : i32
    %jit3A_17 = arith.constant 2 : i32
    %eq3A = arith.constant 0 : i32
    %eq3A_18 = arith.cmpi eq, %jit3A_17, %eq3A : i32
    %jit3A_19 = arith.constant 1 : i32
    %select_n3A_20 = arith.select %eq3A_18, %jit3A_19, %jit3A_17 : i32
    %rem3A_21 = arith.remsi %add3A, %select_n3A_20 : i32
    %ne3A_22 = arith.constant 0 : i32
    %ne3A_23 = arith.cmpi ne, %rem3A_21, %ne3A_22 : i32
    %lt3A = arith.constant 0 : i32
    %lt3A_24 = arith.cmpi slt, %rem3A_21, %lt3A : i32
    %lt3A_25 = arith.constant 0 : i32
    %lt3A_26 = arith.cmpi slt, %select_n3A_20, %lt3A_25 : i32
    %ne3A_27 = arith.xori %lt3A_24, %lt3A_26 : i1
    %and3A_28 = arith.andi %ne3A_27, %ne3A_23 : i1
    %add3A_29 = arith.addi %rem3A_21, %select_n3A_20 : i32
    %select_n3A_30 = arith.select %and3A_28, %add3A_29, %rem3A_21 : i32
    %mul3A_31 = arith.constant 131072 : i32
    %mul3A_32 = arith.muli %select_n3A_30, %mul3A_31 : i32
    %broadcast_in_dim3A = arith.constant 1.000000e+00 : f32
    %broadcast_in_dim3A_33 = vector.broadcast %broadcast_in_dim3A : f32 to vector<16xf32>
    %scan3A = arith.constant 0 : i32
    %scan3A_34 = arith.constant 0 : i32
    %scan3A_35 = arith.constant 6144 : i32
    %scan3A_36 = arith.addi %scan3A_34, %scan3A_35 : i32
    %scan3A_37 = arith.constant 1 : i32
    scf.for %scan3A_83 = %scan3A_34 to %scan3A_36 step %scan3A_37  : i32 {
      %broadcast_in_dim3A_84 = arith.constant 0.000000e+00 : f32
      %broadcast_in_dim3A_85 = vector.broadcast %broadcast_in_dim3A_84 : f32 to vector<16xf32>
      %mul3A_86 = arith.constant 16 : i32
      %mul3A_87 = arith.muli %scan3A_83, %mul3A_86 : i32
      %swap3A = arith.index_cast %mul3A_87 : i32 to index
      %swap3A_88 = tpu.vector_load %arg5[%swap3A] {strides = array<i32>} : memref<98304xf32, #tpu.memory_space<vmem>>, vector<16xf32>,
      tpu.vector_store %arg5[%swap3A], %broadcast_in_dim3A_85 {strides = array<i32>} : memref<98304xf32, #tpu.memory_space<vmem>>, vector<16xf32>,
    }
    %scan3A_38 = arith.constant 6144 : i32
    %iota3A = tpu.iota {dimensions = array<i32: 0>} : vector<16xi32>
    %jit3A_39 = arith.constant 4 : i32
    %eq3A_40 = arith.constant 0 : i32
    %eq3A_41 = arith.cmpi eq, %jit3A_39, %eq3A_40 : i32
    %jit3A_42 = arith.constant 1 : i32
    %select_n3A_43 = arith.select %eq3A_41, %jit3A_42, %jit3A_39 : i32
    %rem3A_44 = vector.broadcast %select_n3A_43 : i32 to vector<16xi32>
    %rem3A_45 = arith.remsi %iota3A, %rem3A_44 : vector<16xi32>
    %ne3A_46 = arith.constant 0 : i32
    %ne3A_47 = vector.broadcast %ne3A_46 : i32 to vector<16xi32>
    %ne3A_48 = arith.cmpi ne, %rem3A_45, %ne3A_47 : vector<16xi32>
    %lt3A_49 = arith.constant 0 : i32
    %lt3A_50 = vector.broadcast %lt3A_49 : i32 to vector<16xi32>
    %lt3A_51 = arith.cmpi slt, %rem3A_45, %lt3A_50 : vector<16xi32>
    %lt3A_52 = arith.constant 0 : i32
    %lt3A_53 = arith.cmpi slt, %select_n3A_43, %lt3A_52 : i32
    %ne3A_54 = vector.broadcast %lt3A_53 : i1 to vector<16xi1>
    %ne3A_55 = vector.broadcast %ne3A_54 : vector<16xi1> to vector<16xi1>
    %ne3A_56 = arith.xori %lt3A_51, %ne3A_55 : vector<16xi1>
    %and3A_57 = arith.andi %ne3A_56, %ne3A_48 : vector<16xi1>
    %add3A_58 = vector.broadcast %select_n3A_43 : i32 to vector<16xi32>
    %add3A_59 = arith.addi %rem3A_45, %add3A_58 : vector<16xi32>
    %select_n3A_60 = arith.select %and3A_57, %add3A_59, %rem3A_45 : vector<16xi1>, vector<16xi32>
    %mul3A_61 = arith.constant 24576 : i32
    %mul3A_62 = vector.broadcast %mul3A_61 : i32 to vector<16xi32>
    %mul3A_63 = arith.muli %select_n3A_60, %mul3A_62 : vector<16xi32>
    %mul3A_64 = arith.constant 3 : i32
    %mul3A_65 = arith.muli %select_n3A, %mul3A_64 : i32
    %add3A_66 = arith.constant 0 : i32
    %add3A_67 = arith.addi %mul3A_65, %add3A_66 : i32
    %add3A_68 = arith.constant 0 : i32
    %add3A_69 = arith.addi %mul3A_32, %add3A_68 : i32
    %multiple_of3A = tpu.assume_multiple %add3A_69, 4096 : i32
    %dma_start3A = tpu.memref_slice %arg2[%add3A_67, %multiple_of3A] : memref<48x262144xf32, #tpu.memory_space<hbm>> -> memref<1x4096xf32, #tpu.memory_space<hbm>>
    %dma_start3A_70 = tpu.memref_squeeze %dma_start3A : memref<1x4096xf32, #tpu.memory_space<hbm>> -> memref<4096xf32, #tpu.memory_space<hbm>>
    %dma_start3A_71 = tpu.memref_slice %arg2[%add3A_67, %multiple_of3A] : memref<48x262144xf32, #tpu.memory_space<hbm>> -> memref<1x4096xf32, #tpu.memory_space<hbm>>
    %dma_start3A_72 = tpu.memref_squeeze %dma_start3A_71 : memref<1x4096xf32, #tpu.memory_space<hbm>> -> memref<4096xf32, #tpu.memory_space<hbm>>
    tpu.enqueue_dma source(%dma_start3A_72 : memref<4096xf32, #tpu.memory_space<hbm>>) target(%arg6 : memref<4096xf32, #tpu.memory_space<vmem>>) target_semaphore(%arg10 : memref<!tpu.dma_semaphore, #tpu.memory_space<semaphore_mem>>)
    %dma_start3A_73 = tpu.memref_slice %arg3[%add3A_67, %multiple_of3A] : memref<48x262144xf32, #tpu.memory_space<hbm>> -> memref<1x4096xf32, #tpu.memory_space<hbm>>
    %dma_start3A_74 = tpu.memref_squeeze %dma_start3A_73 : memref<1x4096xf32, #tpu.memory_space<hbm>> -> memref<4096xf32, #tpu.memory_space<hbm>>
    %dma_start3A_75 = tpu.memref_slice %arg3[%add3A_67, %multiple_of3A] : memref<48x262144xf32, #tpu.memory_space<hbm>> -> memref<1x4096xf32, #tpu.memory_space<hbm>>
    %dma_start3A_76 = tpu.memref_squeeze %dma_start3A_75 : memref<1x4096xf32, #tpu.memory_space<hbm>> -> memref<4096xf32, #tpu.memory_space<hbm>>
    tpu.enqueue_dma source(%dma_start3A_76 : memref<4096xf32, #tpu.memory_space<hbm>>) target(%arg7 : memref<4096xf32, #tpu.memory_space<vmem>>) target_semaphore(%arg11 : memref<!tpu.dma_semaphore, #tpu.memory_space<semaphore_mem>>)
    %scan3A_77 = arith.constant 0 : i32
    %scan3A_78 = arith.constant 0 : i32
    %scan3A_79 = arith.constant 48 : i32
    %scan3A_80 = arith.addi %scan3A_78, %scan3A_79 : i32
    %scan3A_81 = arith.constant 1 : i32
    scf.for %scan3A_83 = %scan3A_78 to %scan3A_80 step %scan3A_81  : i32 {
      %mul3A_84 = arith.constant 2 : i32
      %mul3A_85 = arith.muli %scan3A_83, %mul3A_84 : i32
      %add3A_86 = arith.constant 1 : i32
      %add3A_87 = arith.addi %mul3A_85, %add3A_86 : i32
      %jit3A_88 = arith.constant 32 : i32
      %div3A_89 = arith.divsi %add3A_87, %jit3A_88 : i32
      %sign3A_90 = arith.constant 0 : i32
      %sign3A_91 = arith.cmpi sgt, %add3A_87, %sign3A_90 : i32
      %sign3A_92 = arith.extui %sign3A_91 : i1 to i32
      %sign3A_93 = arith.constant 0 : i32
      %sign3A_94 = arith.cmpi slt, %add3A_87, %sign3A_93 : i32
      %sign3A_95 = arith.extui %sign3A_94 : i1 to i32
      %sign3A_96 = arith.subi %sign3A_92, %sign3A_95 : i32
      %sign3A_97 = arith.constant 0 : i32
      %sign3A_98 = arith.cmpi sgt, %jit3A_88, %sign3A_97 : i32
      %sign3A_99 = arith.extui %sign3A_98 : i1 to i32
      %sign3A_100 = arith.constant 0 : i32
      %sign3A_101 = arith.cmpi slt, %jit3A_88, %sign3A_100 : i32
      %sign3A_102 = arith.extui %sign3A_101 : i1 to i32
      %sign3A_103 = arith.subi %sign3A_99, %sign3A_102 : i32
      %ne3A_104 = arith.cmpi ne, %sign3A_96, %sign3A_103 : i32
      %rem3A_105 = arith.remsi %add3A_87, %jit3A_88 : i32
      %ne3A_106 = arith.constant 0 : i32
      %ne3A_107 = arith.cmpi ne, %rem3A_105, %ne3A_106 : i32
      %and3A_108 = arith.andi %ne3A_104, %ne3A_107 : i1
      %sub3A_109 = arith.constant 1 : i32
      %sub3A_110 = arith.subi %div3A_89, %sub3A_109 : i32
      %select_n3A_111 = arith.select %and3A_108, %sub3A_110, %div3A_89 : i32
      %jit3A_112 = arith.constant 32 : i32
      %eq3A_113 = arith.constant 0 : i32
      %eq3A_114 = arith.cmpi eq, %jit3A_112, %eq3A_113 : i32
      %jit3A_115 = arith.constant 1 : i32
      %select_n3A_116 = arith.select %eq3A_114, %jit3A_115, %jit3A_112 : i32
      %rem3A_117 = arith.remsi %add3A_87, %select_n3A_116 : i32
      %ne3A_118 = arith.constant 0 : i32
      %ne3A_119 = arith.cmpi ne, %rem3A_117, %ne3A_118 : i32
      %lt3A_120 = arith.constant 0 : i32
      %lt3A_121 = arith.cmpi slt, %rem3A_117, %lt3A_120 : i32
      %lt3A_122 = arith.constant 0 : i32
      %lt3A_123 = arith.cmpi slt, %select_n3A_116, %lt3A_122 : i32
      %ne3A_124 = arith.xori %lt3A_121, %lt3A_123 : i1
      %and3A_125 = arith.andi %ne3A_124, %ne3A_119 : i1
      %add3A_126 = arith.addi %rem3A_117, %select_n3A_116 : i32
      %select_n3A_127 = arith.select %and3A_125, %add3A_126, %rem3A_117 : i32
      %mul3A_128 = arith.constant 3 : i32
      %mul3A_129 = arith.muli %select_n3A, %mul3A_128 : i32
      %add3A_130 = arith.addi %mul3A_129, %select_n3A_111 : i32
      %mul3A_131 = arith.constant 4096 : i32
      %mul3A_132 = arith.muli %select_n3A_127, %mul3A_131 : i32
      %add3A_133 = arith.addi %mul3A_32, %mul3A_132 : i32
      %multiple_of3A_134 = tpu.assume_multiple %add3A_133, 4096 : i32
      %dma_start3A_135 = tpu.memref_slice %arg2[%add3A_130, %multiple_of3A_134] : memref<48x262144xf32, #tpu.memory_space<hbm>> -> memref<1x4096xf32, #tpu.memory_space<hbm>>
      %dma_start3A_136 = tpu.memref_squeeze %dma_start3A_135 : memref<1x4096xf32, #tpu.memory_space<hbm>> -> memref<4096xf32, #tpu.memory_space<hbm>>
      %dma_start3A_137 = tpu.memref_slice %arg2[%add3A_130, %multiple_of3A_134] : memref<48x262144xf32, #tpu.memory_space<hbm>> -> memref<1x4096xf32, #tpu.memory_space<hbm>>
      %dma_start3A_138 = tpu.memref_squeeze %dma_start3A_137 : memref<1x4096xf32, #tpu.memory_space<hbm>> -> memref<4096xf32, #tpu.memory_space<hbm>>
      tpu.enqueue_dma source(%dma_start3A_138 : memref<4096xf32, #tpu.memory_space<hbm>>) target(%arg8 : memref<4096xf32, #tpu.memory_space<vmem>>) target_semaphore(%arg12 : memref<!tpu.dma_semaphore, #tpu.memory_space<semaphore_mem>>)
      %dma_start3A_139 = tpu.memref_slice %arg3[%add3A_130, %multiple_of3A_134] : memref<48x262144xf32, #tpu.memory_space<hbm>> -> memref<1x4096xf32, #tpu.memory_space<hbm>>
      %dma_start3A_140 = tpu.memref_squeeze %dma_start3A_139 : memref<1x4096xf32, #tpu.memory_space<hbm>> -> memref<4096xf32, #tpu.memory_space<hbm>>
      %dma_start3A_141 = tpu.memref_slice %arg3[%add3A_130, %multiple_of3A_134] : memref<48x262144xf32, #tpu.memory_space<hbm>> -> memref<1x4096xf32, #tpu.memory_space<hbm>>
      %dma_start3A_142 = tpu.memref_squeeze %dma_start3A_141 : memref<1x4096xf32, #tpu.memory_space<hbm>> -> memref<4096xf32, #tpu.memory_space<hbm>>
      tpu.enqueue_dma source(%dma_start3A_142 : memref<4096xf32, #tpu.memory_space<hbm>>) target(%arg9 : memref<4096xf32, #tpu.memory_space<vmem>>) target_semaphore(%arg13 : memref<!tpu.dma_semaphore, #tpu.memory_space<semaphore_mem>>)
      %jit3A_143 = arith.constant 32 : i32
      %div3A_144 = arith.divsi %mul3A_85, %jit3A_143 : i32
      %sign3A_145 = arith.constant 0 : i32
      %sign3A_146 = arith.cmpi sgt, %mul3A_85, %sign3A_145 : i32
      %sign3A_147 = arith.extui %sign3A_146 : i1 to i32
      %sign3A_148 = arith.constant 0 : i32
      %sign3A_149 = arith.cmpi slt, %mul3A_85, %sign3A_148 : i32
      %sign3A_150 = arith.extui %sign3A_149 : i1 to i32
      %sign3A_151 = arith.subi %sign3A_147, %sign3A_150 : i32
      %sign3A_152 = arith.constant 0 : i32
      %sign3A_153 = arith.cmpi sgt, %jit3A_143, %sign3A_152 : i32
      %sign3A_154 = arith.extui %sign3A_153 : i1 to i32
      %sign3A_155 = arith.constant 0 : i32
      %sign3A_156 = arith.cmpi slt, %jit3A_143, %sign3A_155 : i32
      %sign3A_157 = arith.extui %sign3A_156 : i1 to i32
      %sign3A_158 = arith.subi %sign3A_154, %sign3A_157 : i32
      %ne3A_159 = arith.cmpi ne, %sign3A_151, %sign3A_158 : i32
      %rem3A_160 = arith.remsi %mul3A_85, %jit3A_143 : i32
      %ne3A_161 = arith.constant 0 : i32
      %ne3A_162 = arith.cmpi ne, %rem3A_160, %ne3A_161 : i32
      %and3A_163 = arith.andi %ne3A_159, %ne3A_162 : i1
      %sub3A_164 = arith.constant 1 : i32
      %sub3A_165 = arith.subi %div3A_144, %sub3A_164 : i32
      %select_n3A_166 = arith.select %and3A_163, %sub3A_165, %div3A_144 : i32
      %jit3A_167 = arith.constant 32 : i32
      %eq3A_168 = arith.constant 0 : i32
      %eq3A_169 = arith.cmpi eq, %jit3A_167, %eq3A_168 : i32
      %jit3A_170 = arith.constant 1 : i32
      %select_n3A_171 = arith.select %eq3A_169, %jit3A_170, %jit3A_167 : i32
      %rem3A_172 = arith.remsi %mul3A_85, %select_n3A_171 : i32
      %ne3A_173 = arith.constant 0 : i32
      %ne3A_174 = arith.cmpi ne, %rem3A_172, %ne3A_173 : i32
      %lt3A_175 = arith.constant 0 : i32
      %lt3A_176 = arith.cmpi slt, %rem3A_172, %lt3A_175 : i32
      %lt3A_177 = arith.constant 0 : i32
      %lt3A_178 = arith.cmpi slt, %select_n3A_171, %lt3A_177 : i32
      %ne3A_179 = arith.xori %lt3A_176, %lt3A_178 : i1
      %and3A_180 = arith.andi %ne3A_179, %ne3A_174 : i1
      %add3A_181 = arith.addi %rem3A_172, %select_n3A_171 : i32
      %select_n3A_182 = arith.select %and3A_180, %add3A_181, %rem3A_172 : i32
      %mul3A_183 = arith.constant 3 : i32
      %mul3A_184 = arith.muli %select_n3A, %mul3A_183 : i32
      %add3A_185 = arith.addi %mul3A_184, %select_n3A_166 : i32
      %mul3A_186 = arith.constant 4096 : i32
      %mul3A_187 = arith.muli %select_n3A_182, %mul3A_186 : i32
      %add3A_188 = arith.addi %mul3A_32, %mul3A_187 : i32
      %multiple_of3A_189 = tpu.assume_multiple %add3A_188, 4096 : i32
      %dma_wait3A = tpu.memref_slice %arg2[%add3A_185, %multiple_of3A_189] : memref<48x262144xf32, #tpu.memory_space<hbm>> -> memref<1x4096xf32, #tpu.memory_space<hbm>>
      %dma_wait3A_190 = tpu.memref_squeeze %dma_wait3A : memref<1x4096xf32, #tpu.memory_space<hbm>> -> memref<4096xf32, #tpu.memory_space<hbm>>
      %dma_wait3A_191 = tpu.memref_slice %arg2[%add3A_185, %multiple_of3A_189] : memref<48x262144xf32, #tpu.memory_space<hbm>> -> memref<1x4096xf32, #tpu.memory_space<hbm>>
      %dma_wait3A_192 = tpu.memref_squeeze %dma_wait3A_191 : memref<1x4096xf32, #tpu.memory_space<hbm>> -> memref<4096xf32, #tpu.memory_space<hbm>>
      tpu.wait_dma2 semaphore(%arg10 : memref<!tpu.dma_semaphore, #tpu.memory_space<semaphore_mem>>) src(%dma_wait3A_192 : memref<4096xf32, #tpu.memory_space<hbm>>) dst(%arg6 : memref<4096xf32, #tpu.memory_space<vmem>>)
      %dma_wait3A_193 = tpu.memref_slice %arg3[%add3A_185, %multiple_of3A_189] : memref<48x262144xf32, #tpu.memory_space<hbm>> -> memref<1x4096xf32, #tpu.memory_space<hbm>>
      %dma_wait3A_194 = tpu.memref_squeeze %dma_wait3A_193 : memref<1x4096xf32, #tpu.memory_space<hbm>> -> memref<4096xf32, #tpu.memory_space<hbm>>
      %dma_wait3A_195 = tpu.memref_slice %arg3[%add3A_185, %multiple_of3A_189] : memref<48x262144xf32, #tpu.memory_space<hbm>> -> memref<1x4096xf32, #tpu.memory_space<hbm>>
      %dma_wait3A_196 = tpu.memref_squeeze %dma_wait3A_195 : memref<1x4096xf32, #tpu.memory_space<hbm>> -> memref<4096xf32, #tpu.memory_space<hbm>>
      tpu.wait_dma2 semaphore(%arg11 : memref<!tpu.dma_semaphore, #tpu.memory_space<semaphore_mem>>) src(%dma_wait3A_196 : memref<4096xf32, #tpu.memory_space<hbm>>) dst(%arg7 : memref<4096xf32, #tpu.memory_space<vmem>>)
      %jit3A_197 = arith.constant 32 : i32
      %div3A_198 = arith.divsi %mul3A_85, %jit3A_197 : i32
      %sign3A_199 = arith.constant 0 : i32
      %sign3A_200 = arith.cmpi sgt, %mul3A_85, %sign3A_199 : i32
      %sign3A_201 = arith.extui %sign3A_200 : i1 to i32
      %sign3A_202 = arith.constant 0 : i32
      %sign3A_203 = arith.cmpi slt, %mul3A_85, %sign3A_202 : i32
      %sign3A_204 = arith.extui %sign3A_203 : i1 to i32
      %sign3A_205 = arith.subi %sign3A_201, %sign3A_204 : i32
      %sign3A_206 = arith.constant 0 : i32
      %sign3A_207 = arith.cmpi sgt, %jit3A_197, %sign3A_206 : i32
      %sign3A_208 = arith.extui %sign3A_207 : i1 to i32
      %sign3A_209 = arith.constant 0 : i32
      %sign3A_210 = arith.cmpi slt, %jit3A_197, %sign3A_209 : i32
      %sign3A_211 = arith.extui %sign3A_210 : i1 to i32
      %sign3A_212 = arith.subi %sign3A_208, %sign3A_211 : i32
      %ne3A_213 = arith.cmpi ne, %sign3A_205, %sign3A_212 : i32
      %rem3A_214 = arith.remsi %mul3A_85, %jit3A_197 : i32
      %ne3A_215 = arith.constant 0 : i32
      %ne3A_216 = arith.cmpi ne, %rem3A_214, %ne3A_215 : i32
      %and3A_217 = arith.andi %ne3A_213, %ne3A_216 : i1
      %sub3A_218 = arith.constant 1 : i32
      %sub3A_219 = arith.subi %div3A_198, %sub3A_218 : i32
      %select_n3A_220 = arith.select %and3A_217, %sub3A_219, %div3A_198 : i32
      %mul3A_221 = arith.constant 8192 : i32
      %mul3A_222 = arith.muli %select_n3A_220, %mul3A_221 : i32
      %add3A_223 = vector.broadcast %mul3A_222 : i32 to vector<16xi32>
      %add3A_224 = arith.addi %mul3A_63, %add3A_223 : vector<16xi32>
      %parallel_loop3A = arith.constant 0 : i32
      %parallel_loop3A_225 = arith.constant 256 : i32
      %parallel_loop3A_226 = arith.constant 1 : i32
      scf.for %parallel_loop3A_320 = %parallel_loop3A to %parallel_loop3A_225 step %parallel_loop3A_226  : i32 {
        %parallel_loop3A_321 = arith.constant 16 : i32
        %parallel_loop3A_322 = arith.muli %parallel_loop3A_320, %parallel_loop3A_321 : i32
        %parallel_loop3A_323 = arith.index_cast %parallel_loop3A_322 : i32 to index
        %parallel_loop3A_324 = tpu.vector_load %arg6[%parallel_loop3A_323] {strides = array<i32>} : memref<4096xf32, #tpu.memory_space<vmem>>, vector<16xf32>,
        %parallel_loop3A_325 = arith.constant 16 : i32
        %parallel_loop3A_326 = arith.muli %parallel_loop3A_320, %parallel_loop3A_325 : i32
        %parallel_loop3A_327 = arith.index_cast %parallel_loop3A_326 : i32 to index
        %parallel_loop3A_328 = tpu.vector_load %arg7[%parallel_loop3A_327] {strides = array<i32>} : memref<4096xf32, #tpu.memory_space<vmem>>, vector<16xf32>,
        %parallel_loop3A_329 = arith.constant 2.000000e+00 : f32
        %parallel_loop3A_330 = vector.broadcast %parallel_loop3A_329 : f32 to vector<16xf32>
        %parallel_loop3A_331 = arith.mulf %parallel_loop3A_330, %parallel_loop3A_328 : vector<16xf32>
        %parallel_loop3A_332 = arith.constant 1.000000e+00 : f32
        %parallel_loop3A_333 = vector.broadcast %parallel_loop3A_332 : f32 to vector<16xf32>
        %parallel_loop3A_334 = arith.subf %parallel_loop3A_331, %parallel_loop3A_333 : vector<16xf32>
        %parallel_loop3A_335 = arith.mulf %parallel_loop3A_324, %parallel_loop3A_334 : vector<16xf32>
        %parallel_loop3A_336 = arith.constant 1.000000e+00 : f32
        %parallel_loop3A_337 = vector.broadcast %parallel_loop3A_336 : f32 to vector<16xf32>
        %parallel_loop3A_338 = arith.subf %parallel_loop3A_337, %parallel_loop3A_335 : vector<16xf32>
        %parallel_loop3A_339 = arith.constant 0.000000e+00 : f32
        %parallel_loop3A_340 = vector.broadcast %parallel_loop3A_339 : f32 to vector<16xf32>
        %parallel_loop3A_341 = arith.maximumf %parallel_loop3A_338, %parallel_loop3A_340 : vector<16xf32>
        %parallel_loop3A_342 = arith.constant 3.200000e+01 : f32
        %parallel_loop3A_343 = vector.broadcast %parallel_loop3A_342 : f32 to vector<16xf32>
        %parallel_loop3A_344 = arith.mulf %parallel_loop3A_341, %parallel_loop3A_343 : vector<16xf32>
        %parallel_loop3A_345 = arith.constant 2.047000e+03 : f32
        %parallel_loop3A_346 = vector.broadcast %parallel_loop3A_345 : f32 to vector<16xf32>
        %parallel_loop3A_347 = arith.minimumf %parallel_loop3A_344, %parallel_loop3A_346 : vector<16xf32>
        %parallel_loop3A_348 = arith.fptosi %parallel_loop3A_347 : vector<16xf32> to vector<16xi32>
        %parallel_loop3A_349 = arith.sitofp %parallel_loop3A_348 : vector<16xi32> to vector<16xf32>
        %parallel_loop3A_350 = arith.constant 3.125000e-02 : f32
        %parallel_loop3A_351 = vector.broadcast %parallel_loop3A_350 : f32 to vector<16xf32>
        %parallel_loop3A_352 = arith.mulf %parallel_loop3A_349, %parallel_loop3A_351 : vector<16xf32>
        %parallel_loop3A_353 = arith.subf %parallel_loop3A_341, %parallel_loop3A_352 : vector<16xf32>
        %parallel_loop3A_354 = arith.fptosi %parallel_loop3A_328 : vector<16xf32> to vector<16xi32>
        %parallel_loop3A_355 = arith.constant 2048 : i32
        %parallel_loop3A_356 = vector.broadcast %parallel_loop3A_355 : i32 to vector<16xi32>
        %parallel_loop3A_357 = arith.muli %parallel_loop3A_354, %parallel_loop3A_356 : vector<16xi32>
        %parallel_loop3A_358 = arith.addi %parallel_loop3A_348, %parallel_loop3A_357 : vector<16xi32>
        %parallel_loop3A_359 = arith.addi %parallel_loop3A_358, %add3A_224 : vector<16xi32>
        tpu.vector_store_idx %arg5[%parallel_loop3A_359], %broadcast_in_dim3A_33 {add = true} : memref<98304xf32, #tpu.memory_space<vmem>>[vector<16xi32>], vector<16xf32>,
        %parallel_loop3A_360 = arith.constant 4096 : i32
        %parallel_loop3A_361 = vector.broadcast %parallel_loop3A_360 : i32 to vector<16xi32>
        %parallel_loop3A_362 = arith.addi %parallel_loop3A_359, %parallel_loop3A_361 : vector<16xi32>
        tpu.vector_store_idx %arg5[%parallel_loop3A_362], %parallel_loop3A_353 {add = true} : memref<98304xf32, #tpu.memory_space<vmem>>[vector<16xi32>], vector<16xf32>,
      } {sc.loop_unroll_factor = 4 : i64, sc.parallel_access}
      %lt3A_227 = arith.constant 47 : i32
      %lt3A_228 = arith.cmpi slt, %scan3A_83, %lt3A_227 : i32
      %convert_element_type3A = arith.extui %lt3A_228 : i1 to i32
      %cond3A = arith.constant 0 : i32
      %cond3A_229 = arith.cmpi ne, %convert_element_type3A, %cond3A : i32
      scf.if %cond3A_229 {
        %add3A_320 = arith.constant 2 : i32
        %add3A_321 = arith.addi %mul3A_85, %add3A_320 : i32
        %jit3A_322 = arith.constant 32 : i32
        %div3A_323 = arith.divsi %add3A_321, %jit3A_322 : i32
        %sign3A_324 = arith.constant 0 : i32
        %sign3A_325 = arith.cmpi sgt, %add3A_321, %sign3A_324 : i32
        %sign3A_326 = arith.extui %sign3A_325 : i1 to i32
        %sign3A_327 = arith.constant 0 : i32
        %sign3A_328 = arith.cmpi slt, %add3A_321, %sign3A_327 : i32
        %sign3A_329 = arith.extui %sign3A_328 : i1 to i32
        %sign3A_330 = arith.subi %sign3A_326, %sign3A_329 : i32
        %sign3A_331 = arith.constant 0 : i32
        %sign3A_332 = arith.cmpi sgt, %jit3A_322, %sign3A_331 : i32
        %sign3A_333 = arith.extui %sign3A_332 : i1 to i32
        %sign3A_334 = arith.constant 0 : i32
        %sign3A_335 = arith.cmpi slt, %jit3A_322, %sign3A_334 : i32
        %sign3A_336 = arith.extui %sign3A_335 : i1 to i32
        %sign3A_337 = arith.subi %sign3A_333, %sign3A_336 : i32
        %ne3A_338 = arith.cmpi ne, %sign3A_330, %sign3A_337 : i32
        %rem3A_339 = arith.remsi %add3A_321, %jit3A_322 : i32
        %ne3A_340 = arith.constant 0 : i32
        %ne3A_341 = arith.cmpi ne, %rem3A_339, %ne3A_340 : i32
        %and3A_342 = arith.andi %ne3A_338, %ne3A_341 : i1
        %sub3A_343 = arith.constant 1 : i32
        %sub3A_344 = arith.subi %div3A_323, %sub3A_343 : i32
        %select_n3A_345 = arith.select %and3A_342, %sub3A_344, %div3A_323 : i32
        %jit3A_346 = arith.constant 32 : i32
        %eq3A_347 = arith.constant 0 : i32
        %eq3A_348 = arith.cmpi eq, %jit3A_346, %eq3A_347 : i32
        %jit3A_349 = arith.constant 1 : i32
        %select_n3A_350 = arith.select %eq3A_348, %jit3A_349, %jit3A_346 : i32
        %rem3A_351 = arith.remsi %add3A_321, %select_n3A_350 : i32
        %ne3A_352 = arith.constant 0 : i32
        %ne3A_353 = arith.cmpi ne, %rem3A_351, %ne3A_352 : i32
        %lt3A_354 = arith.constant 0 : i32
        %lt3A_355 = arith.cmpi slt, %rem3A_351, %lt3A_354 : i32
        %lt3A_356 = arith.constant 0 : i32
        %lt3A_357 = arith.cmpi slt, %select_n3A_350, %lt3A_356 : i32
        %ne3A_358 = arith.xori %lt3A_355, %lt3A_357 : i1
        %and3A_359 = arith.andi %ne3A_358, %ne3A_353 : i1
        %add3A_360 = arith.addi %rem3A_351, %select_n3A_350 : i32
        %select_n3A_361 = arith.select %and3A_359, %add3A_360, %rem3A_351 : i32
        %mul3A_362 = arith.constant 3 : i32
        %mul3A_363 = arith.muli %select_n3A, %mul3A_362 : i32
        %add3A_364 = arith.addi %mul3A_363, %select_n3A_345 : i32
        %mul3A_365 = arith.constant 4096 : i32
        %mul3A_366 = arith.muli %select_n3A_361, %mul3A_365 : i32
        %add3A_367 = arith.addi %mul3A_32, %mul3A_366 : i32
        %multiple_of3A_368 = tpu.assume_multiple %add3A_367, 4096 : i32
        %dma_start3A_369 = tpu.memref_slice %arg2[%add3A_364, %multiple_of3A_368] : memref<48x262144xf32, #tpu.memory_space<hbm>> -> memref<1x4096xf32, #tpu.memory_space<hbm>>
        %dma_start3A_370 = tpu.memref_squeeze %dma_start3A_369 : memref<1x4096xf32, #tpu.memory_space<hbm>> -> memref<4096xf32, #tpu.memory_space<hbm>>
        %dma_start3A_371 = tpu.memref_slice %arg2[%add3A_364, %multiple_of3A_368] : memref<48x262144xf32, #tpu.memory_space<hbm>> -> memref<1x4096xf32, #tpu.memory_space<hbm>>
        %dma_start3A_372 = tpu.memref_squeeze %dma_start3A_371 : memref<1x4096xf32, #tpu.memory_space<hbm>> -> memref<4096xf32, #tpu.memory_space<hbm>>
        tpu.enqueue_dma source(%dma_start3A_372 : memref<4096xf32, #tpu.memory_space<hbm>>) target(%arg6 : memref<4096xf32, #tpu.memory_space<vmem>>) target_semaphore(%arg10 : memref<!tpu.dma_semaphore, #tpu.memory_space<semaphore_mem>>)
        %dma_start3A_373 = tpu.memref_slice %arg3[%add3A_364, %multiple_of3A_368] : memref<48x262144xf32, #tpu.memory_space<hbm>> -> memref<1x4096xf32, #tpu.memory_space<hbm>>
        %dma_start3A_374 = tpu.memref_squeeze %dma_start3A_373 : memref<1x4096xf32, #tpu.memory_space<hbm>> -> memref<4096xf32, #tpu.memory_space<hbm>>
        %dma_start3A_375 = tpu.memref_slice %arg3[%add3A_364, %multiple_of3A_368] : memref<48x262144xf32, #tpu.memory_space<hbm>> -> memref<1x4096xf32, #tpu.memory_space<hbm>>
        %dma_start3A_376 = tpu.memref_squeeze %dma_start3A_375 : memref<1x4096xf32, #tpu.memory_space<hbm>> -> memref<4096xf32, #tpu.memory_space<hbm>>
        tpu.enqueue_dma source(%dma_start3A_376 : memref<4096xf32, #tpu.memory_space<hbm>>) target(%arg7 : memref<4096xf32, #tpu.memory_space<vmem>>) target_semaphore(%arg11 : memref<!tpu.dma_semaphore, #tpu.memory_space<semaphore_mem>>)
      } else {
      }
      %add3A_230 = arith.constant 1 : i32
      %add3A_231 = arith.addi %mul3A_85, %add3A_230 : i32
      %jit3A_232 = arith.constant 32 : i32
      %div3A_233 = arith.divsi %add3A_231, %jit3A_232 : i32
      %sign3A_234 = arith.constant 0 : i32
      %sign3A_235 = arith.cmpi sgt, %add3A_231, %sign3A_234 : i32
      %sign3A_236 = arith.extui %sign3A_235 : i1 to i32
      %sign3A_237 = arith.constant 0 : i32
      %sign3A_238 = arith.cmpi slt, %add3A_231, %sign3A_237 : i32
      %sign3A_239 = arith.extui %sign3A_238 : i1 to i32
      %sign3A_240 = arith.subi %sign3A_236, %sign3A_239 : i32
      %sign3A_241 = arith.constant 0 : i32
      %sign3A_242 = arith.cmpi sgt, %jit3A_232, %sign3A_241 : i32
      %sign3A_243 = arith.extui %sign3A_242 : i1 to i32
      %sign3A_244 = arith.constant 0 : i32
      %sign3A_245 = arith.cmpi slt, %jit3A_232, %sign3A_244 : i32
      %sign3A_246 = arith.extui %sign3A_245 : i1 to i32
      %sign3A_247 = arith.subi %sign3A_243, %sign3A_246 : i32
      %ne3A_248 = arith.cmpi ne, %sign3A_240, %sign3A_247 : i32
      %rem3A_249 = arith.remsi %add3A_231, %jit3A_232 : i32
      %ne3A_250 = arith.constant 0 : i32
      %ne3A_251 = arith.cmpi ne, %rem3A_249, %ne3A_250 : i32
      %and3A_252 = arith.andi %ne3A_248, %ne3A_251 : i1
      %sub3A_253 = arith.constant 1 : i32
      %sub3A_254 = arith.subi %div3A_233, %sub3A_253 : i32
      %select_n3A_255 = arith.select %and3A_252, %sub3A_254, %div3A_233 : i32
      %jit3A_256 = arith.constant 32 : i32
      %eq3A_257 = arith.constant 0 : i32
      %eq3A_258 = arith.cmpi eq, %jit3A_256, %eq3A_257 : i32
      %jit3A_259 = arith.constant 1 : i32
      %select_n3A_260 = arith.select %eq3A_258, %jit3A_259, %jit3A_256 : i32
      %rem3A_261 = arith.remsi %add3A_231, %select_n3A_260 : i32
      %ne3A_262 = arith.constant 0 : i32
      %ne3A_263 = arith.cmpi ne, %rem3A_261, %ne3A_262 : i32
      %lt3A_264 = arith.constant 0 : i32
      %lt3A_265 = arith.cmpi slt, %rem3A_261, %lt3A_264 : i32
      %lt3A_266 = arith.constant 0 : i32
      %lt3A_267 = arith.cmpi slt, %select_n3A_260, %lt3A_266 : i32
      %ne3A_268 = arith.xori %lt3A_265, %lt3A_267 : i1
      %and3A_269 = arith.andi %ne3A_268, %ne3A_263 : i1
      %add3A_270 = arith.addi %rem3A_261, %select_n3A_260 : i32
      %select_n3A_271 = arith.select %and3A_269, %add3A_270, %rem3A_261 : i32
      %mul3A_272 = arith.constant 3 : i32
      %mul3A_273 = arith.muli %select_n3A, %mul3A_272 : i32
      %add3A_274 = arith.addi %mul3A_273, %select_n3A_255 : i32
      %mul3A_275 = arith.constant 4096 : i32
      %mul3A_276 = arith.muli %select_n3A_271, %mul3A_275 : i32
      %add3A_277 = arith.addi %mul3A_32, %mul3A_276 : i32
      %multiple_of3A_278 = tpu.assume_multiple %add3A_277, 4096 : i32
      %dma_wait3A_279 = tpu.memref_slice %arg2[%add3A_274, %multiple_of3A_278] : memref<48x262144xf32, #tpu.memory_space<hbm>> -> memref<1x4096xf32, #tpu.memory_space<hbm>>
      %dma_wait3A_280 = tpu.memref_squeeze %dma_wait3A_279 : memref<1x4096xf32, #tpu.memory_space<hbm>> -> memref<4096xf32, #tpu.memory_space<hbm>>
      %dma_wait3A_281 = tpu.memref_slice %arg2[%add3A_274, %multiple_of3A_278] : memref<48x262144xf32, #tpu.memory_space<hbm>> -> memref<1x4096xf32, #tpu.memory_space<hbm>>
      %dma_wait3A_282 = tpu.memref_squeeze %dma_wait3A_281 : memref<1x4096xf32, #tpu.memory_space<hbm>> -> memref<4096xf32, #tpu.memory_space<hbm>>
      tpu.wait_dma2 semaphore(%arg12 : memref<!tpu.dma_semaphore, #tpu.memory_space<semaphore_mem>>) src(%dma_wait3A_282 : memref<4096xf32, #tpu.memory_space<hbm>>) dst(%arg8 : memref<4096xf32, #tpu.memory_space<vmem>>)
      %dma_wait3A_283 = tpu.memref_slice %arg3[%add3A_274, %multiple_of3A_278] : memref<48x262144xf32, #tpu.memory_space<hbm>> -> memref<1x4096xf32, #tpu.memory_space<hbm>>
      %dma_wait3A_284 = tpu.memref_squeeze %dma_wait3A_283 : memref<1x4096xf32, #tpu.memory_space<hbm>> -> memref<4096xf32, #tpu.memory_space<hbm>>
      %dma_wait3A_285 = tpu.memref_slice %arg3[%add3A_274, %multiple_of3A_278] : memref<48x262144xf32, #tpu.memory_space<hbm>> -> memref<1x4096xf32, #tpu.memory_space<hbm>>
      %dma_wait3A_286 = tpu.memref_squeeze %dma_wait3A_285 : memref<1x4096xf32, #tpu.memory_space<hbm>> -> memref<4096xf32, #tpu.memory_space<hbm>>
      tpu.wait_dma2 semaphore(%arg13 : memref<!tpu.dma_semaphore, #tpu.memory_space<semaphore_mem>>) src(%dma_wait3A_286 : memref<4096xf32, #tpu.memory_space<hbm>>) dst(%arg9 : memref<4096xf32, #tpu.memory_space<vmem>>)
      %add3A_287 = arith.constant 1 : i32
      %add3A_288 = arith.addi %mul3A_85, %add3A_287 : i32
      %jit3A_289 = arith.constant 32 : i32
      %div3A_290 = arith.divsi %add3A_288, %jit3A_289 : i32
      %sign3A_291 = arith.constant 0 : i32
      %sign3A_292 = arith.cmpi sgt, %add3A_288, %sign3A_291 : i32
      %sign3A_293 = arith.extui %sign3A_292 : i1 to i32
      %sign3A_294 = arith.constant 0 : i32
      %sign3A_295 = arith.cmpi slt, %add3A_288, %sign3A_294 : i32
      %sign3A_296 = arith.extui %sign3A_295 : i1 to i32
      %sign3A_297 = arith.subi %sign3A_293, %sign3A_296 : i32
      %sign3A_298 = arith.constant 0 : i32
      %sign3A_299 = arith.cmpi sgt, %jit3A_289, %sign3A_298 : i32
      %sign3A_300 = arith.extui %sign3A_299 : i1 to i32
      %sign3A_301 = arith.constant 0 : i32
      %sign3A_302 = arith.cmpi slt, %jit3A_289, %sign3A_301 : i32
      %sign3A_303 = arith.extui %sign3A_302 : i1 to i32
      %sign3A_304 = arith.subi %sign3A_300, %sign3A_303 : i32
      %ne3A_305 = arith.cmpi ne, %sign3A_297, %sign3A_304 : i32
      %rem3A_306 = arith.remsi %add3A_288, %jit3A_289 : i32
      %ne3A_307 = arith.constant 0 : i32
      %ne3A_308 = arith.cmpi ne, %rem3A_306, %ne3A_307 : i32
      %and3A_309 = arith.andi %ne3A_305, %ne3A_308 : i1
      %sub3A_310 = arith.constant 1 : i32
      %sub3A_311 = arith.subi %div3A_290, %sub3A_310 : i32
      %select_n3A_312 = arith.select %and3A_309, %sub3A_311, %div3A_290 : i32
      %mul3A_313 = arith.constant 8192 : i32
      %mul3A_314 = arith.muli %select_n3A_312, %mul3A_313 : i32
      %add3A_315 = vector.broadcast %mul3A_314 : i32 to vector<16xi32>
      %add3A_316 = arith.addi %mul3A_63, %add3A_315 : vector<16xi32>
      %parallel_loop3A_317 = arith.constant 0 : i32
      %parallel_loop3A_318 = arith.constant 256 : i32
      %parallel_loop3A_319 = arith.constant 1 : i32
      scf.for %parallel_loop3A_320 = %parallel_loop3A_317 to %parallel_loop3A_318 step %parallel_loop3A_319  : i32 {
        %parallel_loop3A_321 = arith.constant 16 : i32
        %parallel_loop3A_322 = arith.muli %parallel_loop3A_320, %parallel_loop3A_321 : i32
        %parallel_loop3A_323 = arith.index_cast %parallel_loop3A_322 : i32 to index
        %parallel_loop3A_324 = tpu.vector_load %arg8[%parallel_loop3A_323] {strides = array<i32>} : memref<4096xf32, #tpu.memory_space<vmem>>, vector<16xf32>,
        %parallel_loop3A_325 = arith.constant 16 : i32
        %parallel_loop3A_326 = arith.muli %parallel_loop3A_320, %parallel_loop3A_325 : i32
        %parallel_loop3A_327 = arith.index_cast %parallel_loop3A_326 : i32 to index
        %parallel_loop3A_328 = tpu.vector_load %arg9[%parallel_loop3A_327] {strides = array<i32>} : memref<4096xf32, #tpu.memory_space<vmem>>, vector<16xf32>,
        %parallel_loop3A_329 = arith.constant 2.000000e+00 : f32
        %parallel_loop3A_330 = vector.broadcast %parallel_loop3A_329 : f32 to vector<16xf32>
        %parallel_loop3A_331 = arith.mulf %parallel_loop3A_330, %parallel_loop3A_328 : vector<16xf32>
        %parallel_loop3A_332 = arith.constant 1.000000e+00 : f32
        %parallel_loop3A_333 = vector.broadcast %parallel_loop3A_332 : f32 to vector<16xf32>
        %parallel_loop3A_334 = arith.subf %parallel_loop3A_331, %parallel_loop3A_333 : vector<16xf32>
        %parallel_loop3A_335 = arith.mulf %parallel_loop3A_324, %parallel_loop3A_334 : vector<16xf32>
        %parallel_loop3A_336 = arith.constant 1.000000e+00 : f32
        %parallel_loop3A_337 = vector.broadcast %parallel_loop3A_336 : f32 to vector<16xf32>
        %parallel_loop3A_338 = arith.subf %parallel_loop3A_337, %parallel_loop3A_335 : vector<16xf32>
        %parallel_loop3A_339 = arith.constant 0.000000e+00 : f32
        %parallel_loop3A_340 = vector.broadcast %parallel_loop3A_339 : f32 to vector<16xf32>
        %parallel_loop3A_341 = arith.maximumf %parallel_loop3A_338, %parallel_loop3A_340 : vector<16xf32>
        %parallel_loop3A_342 = arith.constant 3.200000e+01 : f32
        %parallel_loop3A_343 = vector.broadcast %parallel_loop3A_342 : f32 to vector<16xf32>
        %parallel_loop3A_344 = arith.mulf %parallel_loop3A_341, %parallel_loop3A_343 : vector<16xf32>
        %parallel_loop3A_345 = arith.constant 2.047000e+03 : f32
        %parallel_loop3A_346 = vector.broadcast %parallel_loop3A_345 : f32 to vector<16xf32>
        %parallel_loop3A_347 = arith.minimumf %parallel_loop3A_344, %parallel_loop3A_346 : vector<16xf32>
        %parallel_loop3A_348 = arith.fptosi %parallel_loop3A_347 : vector<16xf32> to vector<16xi32>
        %parallel_loop3A_349 = arith.sitofp %parallel_loop3A_348 : vector<16xi32> to vector<16xf32>
        %parallel_loop3A_350 = arith.constant 3.125000e-02 : f32
        %parallel_loop3A_351 = vector.broadcast %parallel_loop3A_350 : f32 to vector<16xf32>
        %parallel_loop3A_352 = arith.mulf %parallel_loop3A_349, %parallel_loop3A_351 : vector<16xf32>
        %parallel_loop3A_353 = arith.subf %parallel_loop3A_341, %parallel_loop3A_352 : vector<16xf32>
        %parallel_loop3A_354 = arith.fptosi %parallel_loop3A_328 : vector<16xf32> to vector<16xi32>
        %parallel_loop3A_355 = arith.constant 2048 : i32
        %parallel_loop3A_356 = vector.broadcast %parallel_loop3A_355 : i32 to vector<16xi32>
        %parallel_loop3A_357 = arith.muli %parallel_loop3A_354, %parallel_loop3A_356 : vector<16xi32>
        %parallel_loop3A_358 = arith.addi %parallel_loop3A_348, %parallel_loop3A_357 : vector<16xi32>
        %parallel_loop3A_359 = arith.addi %parallel_loop3A_358, %add3A_316 : vector<16xi32>
        tpu.vector_store_idx %arg5[%parallel_loop3A_359], %broadcast_in_dim3A_33 {add = true} : memref<98304xf32, #tpu.memory_space<vmem>>[vector<16xi32>], vector<16xf32>,
        %parallel_loop3A_360 = arith.constant 4096 : i32
        %parallel_loop3A_361 = vector.broadcast %parallel_loop3A_360 : i32 to vector<16xi32>
        %parallel_loop3A_362 = arith.addi %parallel_loop3A_359, %parallel_loop3A_361 : vector<16xi32>
        tpu.vector_store_idx %arg5[%parallel_loop3A_362], %parallel_loop3A_353 {add = true} : memref<98304xf32, #tpu.memory_space<vmem>>[vector<16xi32>], vector<16xf32>,
      } {sc.loop_unroll_factor = 4 : i64, sc.parallel_access}
    }
    %scan3A_82 = arith.constant 48 : i32
    "tpu.region"() ({
      %run_scoped3A = tpu.sem_alloc : memref<!tpu.dma_semaphore, #tpu.memory_space<semaphore_mem>>
      %dma_start3A_83 = arith.constant 0 : i32
      %dma_start3A_84 = tpu.memref_slice %arg4[%add3A, %dma_start3A_83] : memref<32x98304xf32, #tpu.memory_space<hbm>> -> memref<1x98304xf32, #tpu.memory_space<hbm>>
      %dma_start3A_85 = tpu.memref_squeeze %dma_start3A_84 : memref<1x98304xf32, #tpu.memory_space<hbm>> -> memref<98304xf32, #tpu.memory_space<hbm>>
      %dma_start3A_86 = arith.constant 0 : i32
      %dma_start3A_87 = tpu.memref_slice %arg4[%add3A, %dma_start3A_86] : memref<32x98304xf32, #tpu.memory_space<hbm>> -> memref<1x98304xf32, #tpu.memory_space<hbm>>
      %dma_start3A_88 = tpu.memref_squeeze %dma_start3A_87 : memref<1x98304xf32, #tpu.memory_space<hbm>> -> memref<98304xf32, #tpu.memory_space<hbm>>
      tpu.enqueue_dma source(%arg5 : memref<98304xf32, #tpu.memory_space<vmem>>) target(%dma_start3A_88 : memref<98304xf32, #tpu.memory_space<hbm>>) target_semaphore(%run_scoped3A : memref<!tpu.dma_semaphore, #tpu.memory_space<semaphore_mem>>)
      %dma_wait3A = arith.constant 0 : i32
      %dma_wait3A_89 = tpu.memref_slice %arg4[%add3A, %dma_wait3A] : memref<32x98304xf32, #tpu.memory_space<hbm>> -> memref<1x98304xf32, #tpu.memory_space<hbm>>
      %dma_wait3A_90 = tpu.memref_squeeze %dma_wait3A_89 : memref<1x98304xf32, #tpu.memory_space<hbm>> -> memref<98304xf32, #tpu.memory_space<hbm>>
      %dma_wait3A_91 = arith.constant 0 : i32
      %dma_wait3A_92 = tpu.memref_slice %arg4[%add3A, %dma_wait3A_91] : memref<32x98304xf32, #tpu.memory_space<hbm>> -> memref<1x98304xf32, #tpu.memory_space<hbm>>
      %dma_wait3A_93 = tpu.memref_squeeze %dma_wait3A_92 : memref<1x98304xf32, #tpu.memory_space<hbm>> -> memref<98304xf32, #tpu.memory_space<hbm>>
      tpu.wait_dma2 semaphore(%run_scoped3A : memref<!tpu.dma_semaphore, #tpu.memory_space<semaphore_mem>>) src(%arg5 : memref<98304xf32, #tpu.memory_space<vmem>>) dst(%dma_wait3A_93 : memref<98304xf32, #tpu.memory_space<hbm>>)
      tpu.yield
    }) : () -> ()
    return
  }
}

module attributes {stable_mosaic.version = 14 : i64} {
  func.func @_tc_fin(%arg0: memref<128x12x16x128xf32, #tpu.memory_space<vmem>>, %arg1: memref<3xf32, #tpu.memory_space<smem>>, %arg2: memref<1x1xf32, #tpu.memory_space<smem>>) attributes {dimension_semantics = [], scalar_prefetch = 0 : i64, scratch_operands = 0 : i64, tpu.core_type = #tpu.core_type<tc>} {
    %get3A = arith.constant 0 : index
    %get3A_0 = arith.constant 0 : index
    %get3A_1 = arith.constant 0 : index
    %get3A_2 = arith.constant 0 : index
    %get3A_3 = vector.load %arg0[%get3A, %get3A_0, %get3A_1, %get3A_2] : memref<128x12x16x128xf32, #tpu.memory_space<vmem>>, vector<128x12x16x128xf32>
    %reduce_sum3A = arith.constant dense<0.000000e+00> : vector<12x16x128xf32>
    %reduce_sum3A_4 = vector.multi_reduction <add>, %get3A_3, %reduce_sum3A [0] : vector<128x12x16x128xf32> to vector<12x16x128xf32>
    %iota3A = tpu.iota {dimensions = array<i32: 0>} : vector<128x128xi32>
    %iota3A_5 = tpu.iota {dimensions = array<i32: 1>} : vector<128x128xi32>
    %le3A = arith.cmpi sle, %iota3A, %iota3A_5 : vector<128x128xi32>
    %jit3A = arith.constant 1.000000e+00 : f32
    %jit3A_6 = arith.constant 0.000000e+00 : f32
    %broadcast_in_dim3A = vector.broadcast %jit3A : f32 to vector<128x128xf32>
    %broadcast_in_dim3A_7 = vector.broadcast %jit3A_6 : f32 to vector<128x128xf32>
    %select_n3A = arith.select %le3A, %broadcast_in_dim3A, %broadcast_in_dim3A_7 : vector<128x128xi1>, vector<128x128xf32>
    %iota3A_8 = tpu.iota {dimensions = array<i32: 0>} : vector<16x16xi32>
    %iota3A_9 = tpu.iota {dimensions = array<i32: 1>} : vector<16x16xi32>
    %lt3A = arith.cmpi slt, %iota3A_9, %iota3A_8 : vector<16x16xi32>
    %jit3A_10 = arith.constant 1.000000e+00 : f32
    %jit3A_11 = arith.constant 0.000000e+00 : f32
    %broadcast_in_dim3A_12 = vector.broadcast %jit3A_10 : f32 to vector<16x16xf32>
    %broadcast_in_dim3A_13 = vector.broadcast %jit3A_11 : f32 to vector<16x16xf32>
    %select_n3A_14 = arith.select %lt3A, %broadcast_in_dim3A_12, %broadcast_in_dim3A_13 : vector<16x16xi1>, vector<16x16xf32>
    %slice3A = vector.extract_strided_slice %reduce_sum3A_4 {offsets = [0, 0, 0], sizes = [1, 16, 128], strides = [1, 1, 1]} : vector<12x16x128xf32> to vector<1x16x128xf32>
    %squeeze3A = vector.shape_cast %slice3A : vector<1x16x128xf32> to vector<16x128xf32>
    %slice3A_15 = vector.extract_strided_slice %reduce_sum3A_4 {offsets = [1, 0, 0], sizes = [1, 16, 128], strides = [1, 1, 1]} : vector<12x16x128xf32> to vector<1x16x128xf32>
    %squeeze3A_16 = vector.shape_cast %slice3A_15 : vector<1x16x128xf32> to vector<16x128xf32>
    %slice3A_17 = vector.extract_strided_slice %reduce_sum3A_4 {offsets = [2, 0, 0], sizes = [1, 16, 128], strides = [1, 1, 1]} : vector<12x16x128xf32> to vector<1x16x128xf32>
    %squeeze3A_18 = vector.shape_cast %slice3A_17 : vector<1x16x128xf32> to vector<16x128xf32>
    %slice3A_19 = vector.extract_strided_slice %reduce_sum3A_4 {offsets = [3, 0, 0], sizes = [1, 16, 128], strides = [1, 1, 1]} : vector<12x16x128xf32> to vector<1x16x128xf32>
    %squeeze3A_20 = vector.shape_cast %slice3A_19 : vector<1x16x128xf32> to vector<16x128xf32>
    %add3A = arith.addf %squeeze3A, %squeeze3A_16 : vector<16x128xf32>
    %add3A_21 = arith.addf %squeeze3A_18, %squeeze3A_20 : vector<16x128xf32>
    %reduce_sum3A_22 = vector.shape_cast %squeeze3A_16 : vector<16x128xf32> to vector<1x16x128xf32>
    %reduce_sum3A_23 = arith.constant dense<0.000000e+00> : vector<1xf32>
    %reduce_sum3A_24 = vector.multi_reduction <add>, %reduce_sum3A_22, %reduce_sum3A_23 [1, 2] : vector<1x16x128xf32> to vector<1xf32>
    %reduce_sum3A_25 = vector.shape_cast %reduce_sum3A_24 : vector<1xf32> to vector<1x1x1xf32>
    %reduce_sum3A_26 = vector.extract %reduce_sum3A_25[0, 0, 0] : f32 from vector<1x1x1xf32>
    %dot_general3A = arith.constant dense<0.000000e+00> : vector<16x128xf32>
    %dot_general3A_27 = tpu.matmul %add3A, %select_n3A, %dot_general3A {dimension_numbers = #tpu.dot_dimension_numbers<[1], [0], [0], [1], [0, 0, 1, 1], [], []>, precision = #tpu.contract_precision<fp32>, transpose_lhs_hint = false} : vector<16x128xf32>, vector<128x128xf32>, vector<16x128xf32> -> vector<16x128xf32>
    %reduce_sum3A_28 = arith.constant dense<0.000000e+00> : vector<16xf32>
    %reduce_sum3A_29 = vector.multi_reduction <add>, %add3A, %reduce_sum3A_28 [1] : vector<16x128xf32> to vector<16xf32>
    %broadcast_in_dim3A_30 = vector.shape_cast %reduce_sum3A_29 : vector<16xf32> to vector<16x1xf32>
    %dot_general3A_31 = arith.constant dense<0.000000e+00> : vector<16x1xf32>
    %dot_general3A_32 = tpu.matmul %select_n3A_14, %broadcast_in_dim3A_30, %dot_general3A_31 {dimension_numbers = #tpu.dot_dimension_numbers<[1], [0], [0], [1], [0, 0, 1, 1], [], []>, precision = #tpu.contract_precision<fp32>, transpose_lhs_hint = false} : vector<16x16xf32>, vector<16x1xf32>, vector<16x1xf32> -> vector<16x1xf32>
    %reduce_sum3A_33 = vector.shape_cast %add3A : vector<16x128xf32> to vector<1x16x128xf32>
    %reduce_sum3A_34 = arith.constant dense<0.000000e+00> : vector<1xf32>
    %reduce_sum3A_35 = vector.multi_reduction <add>, %reduce_sum3A_33, %reduce_sum3A_34 [1, 2] : vector<1x16x128xf32> to vector<1xf32>
    %reduce_sum3A_36 = vector.shape_cast %reduce_sum3A_35 : vector<1xf32> to vector<1x1x1xf32>
    %reduce_sum3A_37 = vector.extract %reduce_sum3A_36[0, 0, 0] : f32 from vector<1x1x1xf32>
    %add3A_38 = vector.broadcast %dot_general3A_32 : vector<16x1xf32> to vector<16x128xf32>
    %add3A_39 = arith.addf %dot_general3A_27, %add3A_38 : vector<16x128xf32>
    %sub3A = vector.broadcast %reduce_sum3A_37 : f32 to vector<16x128xf32>
    %sub3A_40 = arith.subf %sub3A, %add3A_39 : vector<16x128xf32>
    %dot_general3A_41 = arith.constant dense<0.000000e+00> : vector<16x128xf32>
    %dot_general3A_42 = tpu.matmul %squeeze3A_16, %select_n3A, %dot_general3A_41 {dimension_numbers = #tpu.dot_dimension_numbers<[1], [0], [0], [1], [0, 0, 1, 1], [], []>, precision = #tpu.contract_precision<fp32>, transpose_lhs_hint = false} : vector<16x128xf32>, vector<128x128xf32>, vector<16x128xf32> -> vector<16x128xf32>
    %reduce_sum3A_43 = arith.constant dense<0.000000e+00> : vector<16xf32>
    %reduce_sum3A_44 = vector.multi_reduction <add>, %squeeze3A_16, %reduce_sum3A_43 [1] : vector<16x128xf32> to vector<16xf32>
    %broadcast_in_dim3A_45 = vector.shape_cast %reduce_sum3A_44 : vector<16xf32> to vector<16x1xf32>
    %dot_general3A_46 = arith.constant dense<0.000000e+00> : vector<16x1xf32>
    %dot_general3A_47 = tpu.matmul %select_n3A_14, %broadcast_in_dim3A_45, %dot_general3A_46 {dimension_numbers = #tpu.dot_dimension_numbers<[1], [0], [0], [1], [0, 0, 1, 1], [], []>, precision = #tpu.contract_precision<fp32>, transpose_lhs_hint = false} : vector<16x16xf32>, vector<16x1xf32>, vector<16x1xf32> -> vector<16x1xf32>
    %reduce_sum3A_48 = vector.shape_cast %squeeze3A_16 : vector<16x128xf32> to vector<1x16x128xf32>
    %reduce_sum3A_49 = arith.constant dense<0.000000e+00> : vector<1xf32>
    %reduce_sum3A_50 = vector.multi_reduction <add>, %reduce_sum3A_48, %reduce_sum3A_49 [1, 2] : vector<1x16x128xf32> to vector<1xf32>
    %reduce_sum3A_51 = vector.shape_cast %reduce_sum3A_50 : vector<1xf32> to vector<1x1x1xf32>
    %reduce_sum3A_52 = vector.extract %reduce_sum3A_51[0, 0, 0] : f32 from vector<1x1x1xf32>
    %add3A_53 = vector.broadcast %dot_general3A_47 : vector<16x1xf32> to vector<16x128xf32>
    %add3A_54 = arith.addf %dot_general3A_42, %add3A_53 : vector<16x128xf32>
    %sub3A_55 = vector.broadcast %reduce_sum3A_52 : f32 to vector<16x128xf32>
    %sub3A_56 = arith.subf %sub3A_55, %add3A_54 : vector<16x128xf32>
    %sub3A_57 = vector.broadcast %reduce_sum3A_26 : f32 to vector<16x128xf32>
    %sub3A_58 = arith.subf %sub3A_57, %sub3A_56 : vector<16x128xf32>
    %add3A_59 = vector.broadcast %reduce_sum3A_26 : f32 to vector<16x128xf32>
    %add3A_60 = arith.addf %add3A_59, %sub3A_40 : vector<16x128xf32>
    %sub3A_61 = arith.subf %add3A_60, %sub3A_56 : vector<16x128xf32>
    %gt3A = arith.constant 5.000000e-01 : f32
    %gt3A_62 = vector.broadcast %gt3A : f32 to vector<16x128xf32>
    %gt3A_63 = arith.cmpf ogt, %sub3A_61, %gt3A_62 : vector<16x128xf32>
    %max3A = arith.constant 1.000000e+00 : f32
    %max3A_64 = vector.broadcast %max3A : f32 to vector<16x128xf32>
    %max3A_65 = arith.maximumf %sub3A_61, %max3A_64 : vector<16x128xf32>
    %div3A = arith.constant 1.000000e+00 : f32
    %div3A_66 = vector.broadcast %div3A : f32 to vector<16x128xf32>
    %div3A_67 = arith.divf %div3A_66, %max3A_65 : vector<16x128xf32>
    %mul3A = arith.mulf %sub3A_58, %div3A_67 : vector<16x128xf32>
    %sub3A_68 = arith.constant 1.000000e+00 : f32
    %sub3A_69 = vector.broadcast %sub3A_68 : f32 to vector<16x128xf32>
    %sub3A_70 = arith.subf %sub3A_69, %mul3A : vector<16x128xf32>
    %jit3A_71 = arith.constant 0.000000e+00 : f32
    %broadcast_in_dim3A_72 = vector.broadcast %jit3A_71 : f32 to vector<16x128xf32>
    %select_n3A_73 = arith.select %gt3A_63, %sub3A_70, %broadcast_in_dim3A_72 : vector<16x128xi1>, vector<16x128xf32>
    %mul3A_74 = arith.mulf %div3A_67, %div3A_67 : vector<16x128xf32>
    %mul3A_75 = arith.mulf %sub3A_58, %add3A_21 : vector<16x128xf32>
    %sub3A_76 = arith.subf %sub3A_61, %sub3A_58 : vector<16x128xf32>
    %mul3A_77 = arith.mulf %sub3A_76, %squeeze3A_20 : vector<16x128xf32>
    %add3A_78 = arith.addf %mul3A_75, %mul3A_77 : vector<16x128xf32>
    %mul3A_79 = arith.mulf %mul3A_74, %add3A_78 : vector<16x128xf32>
    %jit3A_80 = arith.constant 0.000000e+00 : f32
    %broadcast_in_dim3A_81 = vector.broadcast %jit3A_80 : f32 to vector<16x128xf32>
    %select_n3A_82 = arith.select %gt3A_63, %mul3A_79, %broadcast_in_dim3A_81 : vector<16x128xi1>, vector<16x128xf32>
    %get3A_83 = arith.constant 0 : index
    %get3A_84 = memref.load %arg1[%get3A_83] : memref<3xf32, #tpu.memory_space<smem>>
    %mul3A_85 = arith.constant 3.125000e-02 : f32
    %mul3A_86 = vector.broadcast %mul3A_85 : f32 to vector<16x128xf32>
    %mul3A_87 = arith.mulf %mul3A_86, %select_n3A_73 : vector<16x128xf32>
    %add3A_88 = arith.addf %mul3A_87, %select_n3A_82 : vector<16x128xf32>
    %reduce_sum3A_89 = vector.shape_cast %add3A_88 : vector<16x128xf32> to vector<1x16x128xf32>
    %reduce_sum3A_90 = arith.constant dense<0.000000e+00> : vector<1xf32>
    %reduce_sum3A_91 = vector.multi_reduction <add>, %reduce_sum3A_89, %reduce_sum3A_90 [1, 2] : vector<1x16x128xf32> to vector<1xf32>
    %reduce_sum3A_92 = vector.shape_cast %reduce_sum3A_91 : vector<1xf32> to vector<1x1x1xf32>
    %reduce_sum3A_93 = vector.extract %reduce_sum3A_92[0, 0, 0] : f32 from vector<1x1x1xf32>
    %mul3A_94 = arith.mulf %get3A_84, %reduce_sum3A_93 : f32
    %add3A_95 = arith.constant 0.000000e+00 : f32
    %add3A_96 = arith.addf %add3A_95, %mul3A_94 : f32
    %slice3A_97 = vector.extract_strided_slice %reduce_sum3A_4 {offsets = [4, 0, 0], sizes = [1, 16, 128], strides = [1, 1, 1]} : vector<12x16x128xf32> to vector<1x16x128xf32>
    %squeeze3A_98 = vector.shape_cast %slice3A_97 : vector<1x16x128xf32> to vector<16x128xf32>
    %slice3A_99 = vector.extract_strided_slice %reduce_sum3A_4 {offsets = [5, 0, 0], sizes = [1, 16, 128], strides = [1, 1, 1]} : vector<12x16x128xf32> to vector<1x16x128xf32>
    %squeeze3A_100 = vector.shape_cast %slice3A_99 : vector<1x16x128xf32> to vector<16x128xf32>
    %slice3A_101 = vector.extract_strided_slice %reduce_sum3A_4 {offsets = [6, 0, 0], sizes = [1, 16, 128], strides = [1, 1, 1]} : vector<12x16x128xf32> to vector<1x16x128xf32>
    %squeeze3A_102 = vector.shape_cast %slice3A_101 : vector<1x16x128xf32> to vector<16x128xf32>
    %slice3A_103 = vector.extract_strided_slice %reduce_sum3A_4 {offsets = [7, 0, 0], sizes = [1, 16, 128], strides = [1, 1, 1]} : vector<12x16x128xf32> to vector<1x16x128xf32>
    %squeeze3A_104 = vector.shape_cast %slice3A_103 : vector<1x16x128xf32> to vector<16x128xf32>
    %add3A_105 = arith.addf %squeeze3A_98, %squeeze3A_100 : vector<16x128xf32>
    %add3A_106 = arith.addf %squeeze3A_102, %squeeze3A_104 : vector<16x128xf32>
    %reduce_sum3A_107 = vector.shape_cast %squeeze3A_100 : vector<16x128xf32> to vector<1x16x128xf32>
    %reduce_sum3A_108 = arith.constant dense<0.000000e+00> : vector<1xf32>
    %reduce_sum3A_109 = vector.multi_reduction <add>, %reduce_sum3A_107, %reduce_sum3A_108 [1, 2] : vector<1x16x128xf32> to vector<1xf32>
    %reduce_sum3A_110 = vector.shape_cast %reduce_sum3A_109 : vector<1xf32> to vector<1x1x1xf32>
    %reduce_sum3A_111 = vector.extract %reduce_sum3A_110[0, 0, 0] : f32 from vector<1x1x1xf32>
    %dot_general3A_112 = arith.constant dense<0.000000e+00> : vector<16x128xf32>
    %dot_general3A_113 = tpu.matmul %add3A_105, %select_n3A, %dot_general3A_112 {dimension_numbers = #tpu.dot_dimension_numbers<[1], [0], [0], [1], [0, 0, 1, 1], [], []>, precision = #tpu.contract_precision<fp32>, transpose_lhs_hint = false} : vector<16x128xf32>, vector<128x128xf32>, vector<16x128xf32> -> vector<16x128xf32>
    %reduce_sum3A_114 = arith.constant dense<0.000000e+00> : vector<16xf32>
    %reduce_sum3A_115 = vector.multi_reduction <add>, %add3A_105, %reduce_sum3A_114 [1] : vector<16x128xf32> to vector<16xf32>
    %broadcast_in_dim3A_116 = vector.shape_cast %reduce_sum3A_115 : vector<16xf32> to vector<16x1xf32>
    %dot_general3A_117 = arith.constant dense<0.000000e+00> : vector<16x1xf32>
    %dot_general3A_118 = tpu.matmul %select_n3A_14, %broadcast_in_dim3A_116, %dot_general3A_117 {dimension_numbers = #tpu.dot_dimension_numbers<[1], [0], [0], [1], [0, 0, 1, 1], [], []>, precision = #tpu.contract_precision<fp32>, transpose_lhs_hint = false} : vector<16x16xf32>, vector<16x1xf32>, vector<16x1xf32> -> vector<16x1xf32>
    %reduce_sum3A_119 = vector.shape_cast %add3A_105 : vector<16x128xf32> to vector<1x16x128xf32>
    %reduce_sum3A_120 = arith.constant dense<0.000000e+00> : vector<1xf32>
    %reduce_sum3A_121 = vector.multi_reduction <add>, %reduce_sum3A_119, %reduce_sum3A_120 [1, 2] : vector<1x16x128xf32> to vector<1xf32>
    %reduce_sum3A_122 = vector.shape_cast %reduce_sum3A_121 : vector<1xf32> to vector<1x1x1xf32>
    %reduce_sum3A_123 = vector.extract %reduce_sum3A_122[0, 0, 0] : f32 from vector<1x1x1xf32>
    %add3A_124 = vector.broadcast %dot_general3A_118 : vector<16x1xf32> to vector<16x128xf32>
    %add3A_125 = arith.addf %dot_general3A_113, %add3A_124 : vector<16x128xf32>
    %sub3A_126 = vector.broadcast %reduce_sum3A_123 : f32 to vector<16x128xf32>
    %sub3A_127 = arith.subf %sub3A_126, %add3A_125 : vector<16x128xf32>
    %dot_general3A_128 = arith.constant dense<0.000000e+00> : vector<16x128xf32>
    %dot_general3A_129 = tpu.matmul %squeeze3A_100, %select_n3A, %dot_general3A_128 {dimension_numbers = #tpu.dot_dimension_numbers<[1], [0], [0], [1], [0, 0, 1, 1], [], []>, precision = #tpu.contract_precision<fp32>, transpose_lhs_hint = false} : vector<16x128xf32>, vector<128x128xf32>, vector<16x128xf32> -> vector<16x128xf32>
    %reduce_sum3A_130 = arith.constant dense<0.000000e+00> : vector<16xf32>
    %reduce_sum3A_131 = vector.multi_reduction <add>, %squeeze3A_100, %reduce_sum3A_130 [1] : vector<16x128xf32> to vector<16xf32>
    %broadcast_in_dim3A_132 = vector.shape_cast %reduce_sum3A_131 : vector<16xf32> to vector<16x1xf32>
    %dot_general3A_133 = arith.constant dense<0.000000e+00> : vector<16x1xf32>
    %dot_general3A_134 = tpu.matmul %select_n3A_14, %broadcast_in_dim3A_132, %dot_general3A_133 {dimension_numbers = #tpu.dot_dimension_numbers<[1], [0], [0], [1], [0, 0, 1, 1], [], []>, precision = #tpu.contract_precision<fp32>, transpose_lhs_hint = false} : vector<16x16xf32>, vector<16x1xf32>, vector<16x1xf32> -> vector<16x1xf32>
    %reduce_sum3A_135 = vector.shape_cast %squeeze3A_100 : vector<16x128xf32> to vector<1x16x128xf32>
    %reduce_sum3A_136 = arith.constant dense<0.000000e+00> : vector<1xf32>
    %reduce_sum3A_137 = vector.multi_reduction <add>, %reduce_sum3A_135, %reduce_sum3A_136 [1, 2] : vector<1x16x128xf32> to vector<1xf32>
    %reduce_sum3A_138 = vector.shape_cast %reduce_sum3A_137 : vector<1xf32> to vector<1x1x1xf32>
    %reduce_sum3A_139 = vector.extract %reduce_sum3A_138[0, 0, 0] : f32 from vector<1x1x1xf32>
    %add3A_140 = vector.broadcast %dot_general3A_134 : vector<16x1xf32> to vector<16x128xf32>
    %add3A_141 = arith.addf %dot_general3A_129, %add3A_140 : vector<16x128xf32>
    %sub3A_142 = vector.broadcast %reduce_sum3A_139 : f32 to vector<16x128xf32>
    %sub3A_143 = arith.subf %sub3A_142, %add3A_141 : vector<16x128xf32>
    %sub3A_144 = vector.broadcast %reduce_sum3A_111 : f32 to vector<16x128xf32>
    %sub3A_145 = arith.subf %sub3A_144, %sub3A_143 : vector<16x128xf32>
    %add3A_146 = vector.broadcast %reduce_sum3A_111 : f32 to vector<16x128xf32>
    %add3A_147 = arith.addf %add3A_146, %sub3A_127 : vector<16x128xf32>
    %sub3A_148 = arith.subf %add3A_147, %sub3A_143 : vector<16x128xf32>
    %gt3A_149 = arith.constant 5.000000e-01 : f32
    %gt3A_150 = vector.broadcast %gt3A_149 : f32 to vector<16x128xf32>
    %gt3A_151 = arith.cmpf ogt, %sub3A_148, %gt3A_150 : vector<16x128xf32>
    %max3A_152 = arith.constant 1.000000e+00 : f32
    %max3A_153 = vector.broadcast %max3A_152 : f32 to vector<16x128xf32>
    %max3A_154 = arith.maximumf %sub3A_148, %max3A_153 : vector<16x128xf32>
    %div3A_155 = arith.constant 1.000000e+00 : f32
    %div3A_156 = vector.broadcast %div3A_155 : f32 to vector<16x128xf32>
    %div3A_157 = arith.divf %div3A_156, %max3A_154 : vector<16x128xf32>
    %mul3A_158 = arith.mulf %sub3A_145, %div3A_157 : vector<16x128xf32>
    %sub3A_159 = arith.constant 1.000000e+00 : f32
    %sub3A_160 = vector.broadcast %sub3A_159 : f32 to vector<16x128xf32>
    %sub3A_161 = arith.subf %sub3A_160, %mul3A_158 : vector<16x128xf32>
    %jit3A_162 = arith.constant 0.000000e+00 : f32
    %broadcast_in_dim3A_163 = vector.broadcast %jit3A_162 : f32 to vector<16x128xf32>
    %select_n3A_164 = arith.select %gt3A_151, %sub3A_161, %broadcast_in_dim3A_163 : vector<16x128xi1>, vector<16x128xf32>
    %mul3A_165 = arith.mulf %div3A_157, %div3A_157 : vector<16x128xf32>
    %mul3A_166 = arith.mulf %sub3A_145, %add3A_106 : vector<16x128xf32>
    %sub3A_167 = arith.subf %sub3A_148, %sub3A_145 : vector<16x128xf32>
    %mul3A_168 = arith.mulf %sub3A_167, %squeeze3A_104 : vector<16x128xf32>
    %add3A_169 = arith.addf %mul3A_166, %mul3A_168 : vector<16x128xf32>
    %mul3A_170 = arith.mulf %mul3A_165, %add3A_169 : vector<16x128xf32>
    %jit3A_171 = arith.constant 0.000000e+00 : f32
    %broadcast_in_dim3A_172 = vector.broadcast %jit3A_171 : f32 to vector<16x128xf32>
    %select_n3A_173 = arith.select %gt3A_151, %mul3A_170, %broadcast_in_dim3A_172 : vector<16x128xi1>, vector<16x128xf32>
    %get3A_174 = arith.constant 1 : index
    %get3A_175 = memref.load %arg1[%get3A_174] : memref<3xf32, #tpu.memory_space<smem>>
    %mul3A_176 = arith.constant 3.125000e-02 : f32
    %mul3A_177 = vector.broadcast %mul3A_176 : f32 to vector<16x128xf32>
    %mul3A_178 = arith.mulf %mul3A_177, %select_n3A_164 : vector<16x128xf32>
    %add3A_179 = arith.addf %mul3A_178, %select_n3A_173 : vector<16x128xf32>
    %reduce_sum3A_180 = vector.shape_cast %add3A_179 : vector<16x128xf32> to vector<1x16x128xf32>
    %reduce_sum3A_181 = arith.constant dense<0.000000e+00> : vector<1xf32>
    %reduce_sum3A_182 = vector.multi_reduction <add>, %reduce_sum3A_180, %reduce_sum3A_181 [1, 2] : vector<1x16x128xf32> to vector<1xf32>
    %reduce_sum3A_183 = vector.shape_cast %reduce_sum3A_182 : vector<1xf32> to vector<1x1x1xf32>
    %reduce_sum3A_184 = vector.extract %reduce_sum3A_183[0, 0, 0] : f32 from vector<1x1x1xf32>
    %mul3A_185 = arith.mulf %get3A_175, %reduce_sum3A_184 : f32
    %add3A_186 = arith.addf %add3A_96, %mul3A_185 : f32
    %slice3A_187 = vector.extract_strided_slice %reduce_sum3A_4 {offsets = [8, 0, 0], sizes = [1, 16, 128], strides = [1, 1, 1]} : vector<12x16x128xf32> to vector<1x16x128xf32>
    %squeeze3A_188 = vector.shape_cast %slice3A_187 : vector<1x16x128xf32> to vector<16x128xf32>
    %slice3A_189 = vector.extract_strided_slice %reduce_sum3A_4 {offsets = [9, 0, 0], sizes = [1, 16, 128], strides = [1, 1, 1]} : vector<12x16x128xf32> to vector<1x16x128xf32>
    %squeeze3A_190 = vector.shape_cast %slice3A_189 : vector<1x16x128xf32> to vector<16x128xf32>
    %slice3A_191 = vector.extract_strided_slice %reduce_sum3A_4 {offsets = [10, 0, 0], sizes = [1, 16, 128], strides = [1, 1, 1]} : vector<12x16x128xf32> to vector<1x16x128xf32>
    %squeeze3A_192 = vector.shape_cast %slice3A_191 : vector<1x16x128xf32> to vector<16x128xf32>
    %slice3A_193 = vector.extract_strided_slice %reduce_sum3A_4 {offsets = [11, 0, 0], sizes = [1, 16, 128], strides = [1, 1, 1]} : vector<12x16x128xf32> to vector<1x16x128xf32>
    %squeeze3A_194 = vector.shape_cast %slice3A_193 : vector<1x16x128xf32> to vector<16x128xf32>
    %add3A_195 = arith.addf %squeeze3A_188, %squeeze3A_190 : vector<16x128xf32>
    %add3A_196 = arith.addf %squeeze3A_192, %squeeze3A_194 : vector<16x128xf32>
    %reduce_sum3A_197 = vector.shape_cast %squeeze3A_190 : vector<16x128xf32> to vector<1x16x128xf32>
    %reduce_sum3A_198 = arith.constant dense<0.000000e+00> : vector<1xf32>
    %reduce_sum3A_199 = vector.multi_reduction <add>, %reduce_sum3A_197, %reduce_sum3A_198 [1, 2] : vector<1x16x128xf32> to vector<1xf32>
    %reduce_sum3A_200 = vector.shape_cast %reduce_sum3A_199 : vector<1xf32> to vector<1x1x1xf32>
    %reduce_sum3A_201 = vector.extract %reduce_sum3A_200[0, 0, 0] : f32 from vector<1x1x1xf32>
    %dot_general3A_202 = arith.constant dense<0.000000e+00> : vector<16x128xf32>
    %dot_general3A_203 = tpu.matmul %add3A_195, %select_n3A, %dot_general3A_202 {dimension_numbers = #tpu.dot_dimension_numbers<[1], [0], [0], [1], [0, 0, 1, 1], [], []>, precision = #tpu.contract_precision<fp32>, transpose_lhs_hint = false} : vector<16x128xf32>, vector<128x128xf32>, vector<16x128xf32> -> vector<16x128xf32>
    %reduce_sum3A_204 = arith.constant dense<0.000000e+00> : vector<16xf32>
    %reduce_sum3A_205 = vector.multi_reduction <add>, %add3A_195, %reduce_sum3A_204 [1] : vector<16x128xf32> to vector<16xf32>
    %broadcast_in_dim3A_206 = vector.shape_cast %reduce_sum3A_205 : vector<16xf32> to vector<16x1xf32>
    %dot_general3A_207 = arith.constant dense<0.000000e+00> : vector<16x1xf32>
    %dot_general3A_208 = tpu.matmul %select_n3A_14, %broadcast_in_dim3A_206, %dot_general3A_207 {dimension_numbers = #tpu.dot_dimension_numbers<[1], [0], [0], [1], [0, 0, 1, 1], [], []>, precision = #tpu.contract_precision<fp32>, transpose_lhs_hint = false} : vector<16x16xf32>, vector<16x1xf32>, vector<16x1xf32> -> vector<16x1xf32>
    %reduce_sum3A_209 = vector.shape_cast %add3A_195 : vector<16x128xf32> to vector<1x16x128xf32>
    %reduce_sum3A_210 = arith.constant dense<0.000000e+00> : vector<1xf32>
    %reduce_sum3A_211 = vector.multi_reduction <add>, %reduce_sum3A_209, %reduce_sum3A_210 [1, 2] : vector<1x16x128xf32> to vector<1xf32>
    %reduce_sum3A_212 = vector.shape_cast %reduce_sum3A_211 : vector<1xf32> to vector<1x1x1xf32>
    %reduce_sum3A_213 = vector.extract %reduce_sum3A_212[0, 0, 0] : f32 from vector<1x1x1xf32>
    %add3A_214 = vector.broadcast %dot_general3A_208 : vector<16x1xf32> to vector<16x128xf32>
    %add3A_215 = arith.addf %dot_general3A_203, %add3A_214 : vector<16x128xf32>
    %sub3A_216 = vector.broadcast %reduce_sum3A_213 : f32 to vector<16x128xf32>
    %sub3A_217 = arith.subf %sub3A_216, %add3A_215 : vector<16x128xf32>
    %dot_general3A_218 = arith.constant dense<0.000000e+00> : vector<16x128xf32>
    %dot_general3A_219 = tpu.matmul %squeeze3A_190, %select_n3A, %dot_general3A_218 {dimension_numbers = #tpu.dot_dimension_numbers<[1], [0], [0], [1], [0, 0, 1, 1], [], []>, precision = #tpu.contract_precision<fp32>, transpose_lhs_hint = false} : vector<16x128xf32>, vector<128x128xf32>, vector<16x128xf32> -> vector<16x128xf32>
    %reduce_sum3A_220 = arith.constant dense<0.000000e+00> : vector<16xf32>
    %reduce_sum3A_221 = vector.multi_reduction <add>, %squeeze3A_190, %reduce_sum3A_220 [1] : vector<16x128xf32> to vector<16xf32>
    %broadcast_in_dim3A_222 = vector.shape_cast %reduce_sum3A_221 : vector<16xf32> to vector<16x1xf32>
    %dot_general3A_223 = arith.constant dense<0.000000e+00> : vector<16x1xf32>
    %dot_general3A_224 = tpu.matmul %select_n3A_14, %broadcast_in_dim3A_222, %dot_general3A_223 {dimension_numbers = #tpu.dot_dimension_numbers<[1], [0], [0], [1], [0, 0, 1, 1], [], []>, precision = #tpu.contract_precision<fp32>, transpose_lhs_hint = false} : vector<16x16xf32>, vector<16x1xf32>, vector<16x1xf32> -> vector<16x1xf32>
    %reduce_sum3A_225 = vector.shape_cast %squeeze3A_190 : vector<16x128xf32> to vector<1x16x128xf32>
    %reduce_sum3A_226 = arith.constant dense<0.000000e+00> : vector<1xf32>
    %reduce_sum3A_227 = vector.multi_reduction <add>, %reduce_sum3A_225, %reduce_sum3A_226 [1, 2] : vector<1x16x128xf32> to vector<1xf32>
    %reduce_sum3A_228 = vector.shape_cast %reduce_sum3A_227 : vector<1xf32> to vector<1x1x1xf32>
    %reduce_sum3A_229 = vector.extract %reduce_sum3A_228[0, 0, 0] : f32 from vector<1x1x1xf32>
    %add3A_230 = vector.broadcast %dot_general3A_224 : vector<16x1xf32> to vector<16x128xf32>
    %add3A_231 = arith.addf %dot_general3A_219, %add3A_230 : vector<16x128xf32>
    %sub3A_232 = vector.broadcast %reduce_sum3A_229 : f32 to vector<16x128xf32>
    %sub3A_233 = arith.subf %sub3A_232, %add3A_231 : vector<16x128xf32>
    %sub3A_234 = vector.broadcast %reduce_sum3A_201 : f32 to vector<16x128xf32>
    %sub3A_235 = arith.subf %sub3A_234, %sub3A_233 : vector<16x128xf32>
    %add3A_236 = vector.broadcast %reduce_sum3A_201 : f32 to vector<16x128xf32>
    %add3A_237 = arith.addf %add3A_236, %sub3A_217 : vector<16x128xf32>
    %sub3A_238 = arith.subf %add3A_237, %sub3A_233 : vector<16x128xf32>
    %gt3A_239 = arith.constant 5.000000e-01 : f32
    %gt3A_240 = vector.broadcast %gt3A_239 : f32 to vector<16x128xf32>
    %gt3A_241 = arith.cmpf ogt, %sub3A_238, %gt3A_240 : vector<16x128xf32>
    %max3A_242 = arith.constant 1.000000e+00 : f32
    %max3A_243 = vector.broadcast %max3A_242 : f32 to vector<16x128xf32>
    %max3A_244 = arith.maximumf %sub3A_238, %max3A_243 : vector<16x128xf32>
    %div3A_245 = arith.constant 1.000000e+00 : f32
    %div3A_246 = vector.broadcast %div3A_245 : f32 to vector<16x128xf32>
    %div3A_247 = arith.divf %div3A_246, %max3A_244 : vector<16x128xf32>
    %mul3A_248 = arith.mulf %sub3A_235, %div3A_247 : vector<16x128xf32>
    %sub3A_249 = arith.constant 1.000000e+00 : f32
    %sub3A_250 = vector.broadcast %sub3A_249 : f32 to vector<16x128xf32>
    %sub3A_251 = arith.subf %sub3A_250, %mul3A_248 : vector<16x128xf32>
    %jit3A_252 = arith.constant 0.000000e+00 : f32
    %broadcast_in_dim3A_253 = vector.broadcast %jit3A_252 : f32 to vector<16x128xf32>
    %select_n3A_254 = arith.select %gt3A_241, %sub3A_251, %broadcast_in_dim3A_253 : vector<16x128xi1>, vector<16x128xf32>
    %mul3A_255 = arith.mulf %div3A_247, %div3A_247 : vector<16x128xf32>
    %mul3A_256 = arith.mulf %sub3A_235, %add3A_196 : vector<16x128xf32>
    %sub3A_257 = arith.subf %sub3A_238, %sub3A_235 : vector<16x128xf32>
    %mul3A_258 = arith.mulf %sub3A_257, %squeeze3A_194 : vector<16x128xf32>
    %add3A_259 = arith.addf %mul3A_256, %mul3A_258 : vector<16x128xf32>
    %mul3A_260 = arith.mulf %mul3A_255, %add3A_259 : vector<16x128xf32>
    %jit3A_261 = arith.constant 0.000000e+00 : f32
    %broadcast_in_dim3A_262 = vector.broadcast %jit3A_261 : f32 to vector<16x128xf32>
    %select_n3A_263 = arith.select %gt3A_241, %mul3A_260, %broadcast_in_dim3A_262 : vector<16x128xi1>, vector<16x128xf32>
    %get3A_264 = arith.constant 2 : index
    %get3A_265 = memref.load %arg1[%get3A_264] : memref<3xf32, #tpu.memory_space<smem>>
    %mul3A_266 = arith.constant 3.125000e-02 : f32
    %mul3A_267 = vector.broadcast %mul3A_266 : f32 to vector<16x128xf32>
    %mul3A_268 = arith.mulf %mul3A_267, %select_n3A_254 : vector<16x128xf32>
    %add3A_269 = arith.addf %mul3A_268, %select_n3A_263 : vector<16x128xf32>
    %reduce_sum3A_270 = vector.shape_cast %add3A_269 : vector<16x128xf32> to vector<1x16x128xf32>
    %reduce_sum3A_271 = arith.constant dense<0.000000e+00> : vector<1xf32>
    %reduce_sum3A_272 = vector.multi_reduction <add>, %reduce_sum3A_270, %reduce_sum3A_271 [1, 2] : vector<1x16x128xf32> to vector<1xf32>
    %reduce_sum3A_273 = vector.shape_cast %reduce_sum3A_272 : vector<1xf32> to vector<1x1x1xf32>
    %reduce_sum3A_274 = vector.extract %reduce_sum3A_273[0, 0, 0] : f32 from vector<1x1x1xf32>
    %mul3A_275 = arith.mulf %get3A_265, %reduce_sum3A_274 : f32
    %add3A_276 = arith.addf %add3A_186, %mul3A_275 : f32
    %swap3A = arith.constant 0 : index
    %swap3A_277 = arith.constant 0 : index
    %swap3A_278 = memref.load %arg2[%swap3A, %swap3A_277] : memref<1x1xf32, #tpu.memory_space<smem>>
    memref.store %add3A_276, %arg2[%swap3A, %swap3A_277] : memref<1x1xf32, #tpu.memory_space<smem>>
    return
  }
}

</mosaic_0001>

<sc_bundles>
// kernel: kernel.4.cloned.1.call-start
scs
__scs_entry_jumppad:
0x0: {  	(pc) =	sbr.rel $0x88, $3  }
0x1: {  	(tag) =	ssettag $0x0;
	lr =	simm.s32 $0x1  }
0x2: {  	[smem:$0x3F9E] =	sst lr;
	_ =	strace $0xD0000000  }
0x3: {  	_ = 	snop  }
0x4: {  	_ = 	snop  }
0x5: {  	_ = 	snop  }
0x6: {  	_ = 	snop  }
0x7: {  	_ = 	snop  }
__scs_overlays_trampoline_lowered:
0x8: {  	[smem:$0x3FAD] =	sst s0  }
0x9: {  	[smem:$0x3FAE] =	sst s1  }
0xa: {  	[smem:$0x3FAF] =	sst s2  }
0xb: {  	[smem:$0x3FB0] =	sst s3  }
0xc: {  	[smem:$0x3FB1] =	sst s4  }
0xd: {  	[smem:$0x3FB2] =	sst s5  }
0xe: {  	[smem:$0x3FB3] =	sst s6  }
0xf: {  	[smem:$0x3FB4] =	sst s7  }
0x10: {  	[smem:$0x3FB5] =	sst s8  }
0x11: {  	[smem:$0x3FB6] =	sst s9;
	s0 =	simm.s32 @!p0 $0x0  }
0x12: {  	s1 =	sld [smem:$0x3F9C];
	s0 =	simm.s32 @p0 $0x1  }
0x13: {  	[smem:$0x3FB7] =	sst s0;
	s0 =	simm.s32 @!p1 $0x0  }
0x14: {  	s2 =	sld [smem:$0x3F9B];
	s0 =	simm.s32 @p1 $0x1  }
0x15: {  	[smem:$0x3FB8] =	sst s0;
	s0 =	simm.s32 @!p2 $0x0  }
0x16: {  	s3 =	sld [smem:$0x3FDB];
	s0 =	simm.s32 @p2 $0x1  }
0x17: {  	s4 =	simm.s32 $0x1BF5;
	[smem:$0x3FBA] =	sst s0  }
0x18: {  	s0 =	sld [smem:$0x3F9D];
	_ =	swait.ge [sflag:s4], $0x0  }
0x19: {  	s7 =	sld [smem:$0x3F9E]  }
0x1a: {  	s8 =	sadd.s32 $0xFFFFE003, lr  }
0x1b: {  	s9 =	sadd.s32 $0xFFFFFEF7, lr;
	s5 =	simm.s32 $0xFFFFFFFF;
	p2 =	slt.u32 s8, $0xFFFFF086  }
0x1c: {  	p1 =	slt.u32 s9, $0xF7A;
	s5 =	simm.s32 @!p2 $0x0  }
0x1d: {  	s5 =	simm.s32 @p1 $0x1;
	p0 =	seq.s32 s7, s2  }
0x1e: {  	s7 =	smul.u32 @!p0 $0xF7A, s2;
	p2 =	seq.s32 @!p0 s5, $0x0  }
0x1f: {  	s9 =	smul.u32 $0xF7A, s1;
	s8 =	simm.s32 @!p0 $0x1BF5;
	p2 =	por !p2, p0  }
0x20: {  	[sflag:s8] =	ssyncset.s32 @!p0 $0xFFFFF086;
	s6 =	sadd.s32 @!p0 s3, s7;
	s7 =	simm.s32 @!p0 $0x108  }
0x21: {  	s3 =	sadd.s32 s3, s9;
	s6 =	sadd.s32 @!p0 $0x88, s6;
	s7 =	simm.s32 @p2 $0x1082  }
0x22: {  	[simem:s7], [sflag:s8] =	dma.local @!p0 [hbm:s6], $0xF7A  }
0x23: {  	s9 =	sor.u32 $0xD0000000, s2;
	s6 =	simm.s32 $0x108;
	_ =	swait.ge @!p0 [sflag:s8], $0x0  }
0x24: {  	s3 =	sadd.s32 $0x88, s3;
	s6 =	simm.s32 @!p1 $0x1082;
	[sflag:s4] =	ssyncset.s32 $0xFFFFF086  }
0x25: {  	[simem:s6], [sflag:s4] =	dma.local [hbm:s3], $0xF7A  }
0x26: {  	[smem:$0x3F9E] =	sst s1;
	(tag) =	ssettag s2;
	_ =	strace s9  }
0x27: {  	s1 =	sld [smem:$0x3FAE]  }
0x28: {  	s2 =	sld [smem:$0x3FAF]  }
0x29: {  	s4 =	sld [smem:$0x3FB1]  }
0x2a: {  	p0 =	seq.s32 s5, $0x0;
	s5 =	sld [smem:$0x3FB2]  }
0x2b: {  	s6 =	sld [smem:$0x3FB3]  }
0x2c: {  	s7 =	sld [smem:$0x3FB4]  }
0x2d: {  	s3 =	simm.s32 $0x108;
	s8 =	sld [smem:$0x3FB5]  }
0x2e: {  	s3 =	simm.s32 @!p0 $0x1082;
	s9 =	sld [smem:$0x3FB6]  }
0x2f: {  	lr =	sadd.s32 s0, s3;
	s0 =	sld [smem:$0x3FAD]  }
0x30: {  	s3 =	sld [smem:$0x3FB0]  }
0x31: {  	[smem:$0x3FB9] =	sst s10  }
0x32: {  	s10 =	sld [smem:$0x3FB7];
	_ =	sdelay $0x3  }
0x33: {  	p0 =	seq.s32 s10, $0x1;
	s10 =	sld [smem:$0x3FB9];
	_ =	sdelay $0x3  }
0x34: {  	[smem:$0x3FB9] =	sst s10  }
0x35: {  	s10 =	sld [smem:$0x3FB8];
	_ =	sdelay $0x3  }
0x36: {  	p1 =	seq.s32 s10, $0x1;
	s10 =	sld [smem:$0x3FB9];
	_ =	sdelay $0x3  }
0x37: {  	[smem:$0x3FB9] =	sst s10  }
0x38: {  	s10 =	sld [smem:$0x3FBA]  }
0x39: {  	_ = 	snop;
	(pc) =	sbr.ind lr, $3  }
0x3a: {  	_ = 	snop  }
0x3b: {  	_ = 	snop  }
0x3c: {  	p2 =	seq.s32 s10, $0x1;
	s10 =	sld [smem:$0x3FB9]  }
0x3d: {  	_ =	shalt  }
0x3e: {  	_ =	shalt  }
0x3f: {  	_ =	shalt  }
0x40: {  	_ =	shalt  }
0x41: {  	_ =	shalt  }
0x42: {  	_ =	shalt  }
0x43: {  	_ =	shalt  }
0x44: {  	_ =	shalt  }
0x45: {  	_ =	shalt  }
0x46: {  	_ =	shalt  }
0x47: {  	_ =	shalt  }
0x48: {  	_ =	shalt  }
0x49: {  	_ =	shalt  }
0x4a: {  	_ =	shalt  }
0x4b: {  	_ =	shalt  }
0x4c: {  	_ =	shalt  }
0x4d: {  	_ =	shalt  }
0x4e: {  	_ =	shalt  }
0x4f: {  	_ =	shalt  }
0x50: {  	_ =	shalt  }
0x51: {  	_ =	shalt  }
0x52: {  	_ =	shalt  }
0x53: {  	_ =	shalt  }
0x54: {  	_ =	shalt  }
0x55: {  	_ =	shalt  }
0x56: {  	_ =	shalt  }
0x57: {  	_ =	shalt  }
0x58: {  	_ =	shalt  }
0x59: {  	_ =	shalt  }
0x5a: {  	_ =	shalt  }
0x5b: {  	_ =	shalt  }
0x5c: {  	_ =	shalt  }
0x5d: {  	_ =	shalt  }
0x5e: {  	_ =	shalt  }
0x5f: {  	_ =	shalt  }
0x60: {  	_ =	shalt  }
0x61: {  	_ =	shalt  }
0x62: {  	_ =	shalt  }
0x63: {  	_ =	shalt  }
0x64: {  	_ =	shalt  }
0x65: {  	_ =	shalt  }
0x66: {  	_ =	shalt  }
0x67: {  	_ =	shalt  }
0x68: {  	_ =	shalt  }
0x69: {  	_ =	shalt  }
0x6a: {  	_ =	shalt  }
0x6b: {  	_ =	shalt  }
0x6c: {  	_ =	shalt  }
0x6d: {  	_ =	shalt  }
0x6e: {  	_ =	shalt  }
0x6f: {  	_ =	shalt  }
0x70: {  	_ =	shalt  }
0x71: {  	_ =	shalt  }
0x72: {  	_ =	shalt  }
0x73: {  	_ =	shalt  }
0x74: {  	_ =	shalt  }
0x75: {  	_ =	shalt  }
0x76: {  	_ =	shalt  }
0x77: {  	_ =	shalt  }
0x78: {  	_ =	shalt  }
0x79: {  	_ =	shalt  }
0x7a: {  	_ =	shalt  }
0x7b: {  	_ =	shalt  }
0x7c: {  	_ =	shalt  }
0x7d: {  	_ =	shalt  }
0x7e: {  	_ =	shalt  }
0x7f: {  	_ =	shalt  }
0x80: {  	_ =	shalt  }
0x81: {  	_ =	shalt  }
0x82: {  	_ =	shalt  }
0x83: {  	_ =	shalt  }
0x84: {  	_ =	shalt  }
0x85: {  	_ =	shalt  }
0x86: {  	_ =	shalt  }
0x87: {  	_ =	shalt  }
.Lfunc_end0:
.L_simem_size_0:
called_computation.2_lowered:
.L_overlay_start_0:
0x88: {  	s2 =	sld [smem:$0x3FD9]  }
0x89: {  	s3 =	sld [smem:$0x3FFE];
	_ =	sdelay $0x1  }
0x8a: {  	s1 =	srdreg.scid  }
0x8b: {  	s0 =	sand.u32 $0x1, s1  }
0x8c: {  	s16 =	sshll.u32 s0, $0xA;
	s2 =	sadd.s32 s3, s2  }
0x8d: {  	s2 =	sadd.s32 s2, s16  }
0x8e: {  	[smem:$0x3FC5] =	sst s2  }
0x8f: {  	_ = 	snop  }
0x90: {  	(tm) =	ssettm $0x1  }
0x91: {  	s17 =	sld [smem:$0x3FFB];
	_ =	sdelay $0x3  }
0x92: {  	_ =	strace s17  }
0x93: {  	s2 =	sld [smem:$0x3FFC];
	_ =	sdelay $0x3  }
0x94: {  	_ =	strace s2  }
0x95: {  	s2 =	sld [smem:$0x3FFD];
	_ =	sdelay $0x3  }
0x96: {  	_ =	strace s2  }
0x97: {  	_ =	strace $0x8FFFFFFF  }
0x98: {  	s18 =	sld [smem:$0x3FDB];
	_ =	sdelay $0x1  }
0x99: {  	s19 =	simm.s32 $_scs_section_size  }
0x9a: {  	s4 =	simm.s32 $_size__tile_overlayer_lowered;
	s5 =	simm.s32 $_tile_overlayer_lowered  }
0x9b: {  	s22 =	simm.s32 $0x1BFF;
	s21 =	sshll.u32 s5, $0x1;
	s2 =	sadd.s32 s19, s18  }
0x9c: {  	s6 =	simm.s32 $0x0;
	s20 =	sshll.u32 s4, $0x1;
	s4 =	sadd.s32 s21, s2  }
0x9d: {  	[timem:s6], [sflag:s22] =	dma.local [hbm:s4], s20  }
0x9e: {  	_ =	swait.ge [sflag:s22], s20  }
0x9f: {  	s3 =	ssub.s32 $0x0, s20;
	[sflag:s22] =	ssyncset.done $0x0  }
0xa0: {  	[sflag:s22] =	ssyncadd.s32 s3;
	_ =	sdelay $0x1  }
0xa1: {  	s23 =	simm.s32 $0x1B8B  }
0xa2: {  	_ =	swait.ge [sflag:s23], $0x1  }
0xa3: {  	[sflag:s23] =	ssyncset.done $0x0  }
0xa4: {  	s25 =	simm.s32 $0x1B8E;
	s24 =	sld [smem:$0x3FFE];
	[sflag:s23] =	ssyncadd.s32 $0xFFFFFFFF  }
0xa5: {  	s26 =	simm.s32 $execute0_lowered;
	[smem:$0x3FD2] =	sst s25  }
0xa6: {  	s4 =	sshll.u32 s26, $0x1;
	_ =	strace $0x8000004C;
	[dreg:$0x1] =	wrdreg $0xFFFFFFFF  }
0xa7: {  	s28 =	simm.s32 $_size_execute0_lowered;
	s2 =	sadd.s32 s2, s4;
	[dreg:$0x0] =	wrdreg $0x0  }
0xa8: {  	s4 =	sshll.u32 s28, $0x1;
	[dreg:$0x2] =	wrdreg s2  }
0xa9: {  	[dreg:$0x3] =	wrdreg s4  }
0xaa: {  	[dreg:$0x4] =	wrdreg $0xC0  }
0xab: {  	_ =	task [dreg:s6], $0x5FFFF  }
0xac: {  	[dreg:$0x1] =	wrdreg $0xFFFFFFFF  }
0xad: {  	[dreg:$0x0] =	wrdreg $0x60  }
0xae: {  	[dreg:$0x2] =	wrdreg s24  }
0xaf: {  	[dreg:$0x3] =	wrdreg $0x9  }
0xb0: {  	_ =	task.clear_ibuf [dreg:s6], $0x4FFFF;
	_ =	strace $0x9000004C  }
0xb1: {  	s29 =	simm.s32 $0x9;
	_ =	strace $0x8000004E  }
0xb2: {  	_ =	swait.ge [sflag:s29], $0x1  }
0xb3: {  	[sflag:s29] =	ssyncadd.s32 $0xFFFFFFFF  }
0xb4: {  	_ =	strace $0x9000004E  }
0xb5: {  	_ =	sfence  }
0xb6: {  	s30 =	sld [smem:$0x0];
	_ =	sdelay $0x2  }
0xb7: {  	s31 =	sshll.u32 s1, $0xD;
	s1 =	sshrl.u32 s1, $0x2  }
0xb8: {  	s3 =	sand.u32 $0x4000, s31;
	s1 =	sadd.s32 s1, s30  }
0xb9: {  	s0 =	sor.u32 s3, s0;
	s1 =	sshll.u32 s1, $0x11  }
0xba: {  	s0 =	sor.u32 s1, s0  }
0xbb: {  	s0 =	sadd.s32 $0x8F2B, s0  }
0xbc: {  	[sflag:s0] =	ssyncadd.remote.s32 $0x1  }
0xbd: {  	_ =	sfence.sel $0xFFFF  }
0xbe: {  	[dreg:$0x0] =	wrdreg $0xFFFFFFFF;
	(pc) =	sbr.abs _section_cstart, $3  }
0xbf: {  	[dreg:$0x1] =	wrdreg $0xFFFFFFFF  }
0xc0: {  	_ =	task.clear_ibuf [dreg:s6], $0x2FFFF;
	_ =	strace $0x9FFFFFFF  }
0xc1: {  	(tm) =	ssettm $0x7FFFFFFF  }
tec
execute0_lowered:
.L_overlay_start_1:
0x0: {  	(tag) =	ssettag $0x1  }
0x1: {  	s1 =	srdreg.scid  }
0x2: {  	s0 =	stileid.u32;
	s5 =	rddreg [dreg:$0x0];
	s7 =	simm.s32 $0x1  }
0x3: {  	s13 =	simm.s32 $0x400;
	s14 =	simm.s32 $0x18000;
	s15 =	simm.s32 $0x19000  }
0x4: {  	s16 =	simm.s32 $0x1A000;
	s17 =	simm.s32 $0x1B000;
	s18 =	simm.s32 $0x2  }
0x5: {  	s19 =	simm.s32 $0x3;
	s20 =	simm.s32 $0x4;
	s21 =	simm.s32 $0x5  }
0x6: {  	s22 =	simm.s32 $0x0;
	s6 =	sand.u32 $0x1, s1;
	s2 =	sshll.u32 s0, $0x1  }
0x7: {  	s1 =	rddreg [dreg:$0x1];
	s4 =	sshrl.u32 s0, $0x2;
	s3 =	sor.u32 s6, s2  }
0x8: {  	p1 =	seq.s32 s6, $0x1;
	s2 =	simm.s32 $0x0;
	p0 =	seq.s32 s3, $0x0  }
0x9: {  	s4 =	smul.u32 $0xC0000, s4;
	s29 =	ssub.s32 $0x2, s6;
	p0 =	por !p0, !p1  }
0xa: {  	s11 =	sshll.u32 s6, $0x14;
	s6 =	sshll.u32 s6, $0x11;
	p0 =	por !p0, !p0  }
0xb: {  	s3 =	sshll.u32 s3, $0x7;
	[smem:$0x7FF] =	sst s2;
	s7 =	simm.s32 @!p0 $0x0  }
0xc: {  	s12 =	sshrl.u32 s29, $0x1;
	s3 =	sand.u32 $0x380, s3;
	s7 =	ssub.s32 s0, s7  }
0xd: {  	_ =	strace $0x8000004D;
	s12 =	ssub.s32 s29, s12;
	s9 =	smul.u32 $0xC0000, s7  }
0xe: {  	s4 =	sor.u32 s4, s3;
	s3 =	sadd.s32 $0xE00, s5;
	s28 =	smul.u32 $0x180, s7  }
0xf: {  	s8 =	sshrl.u32 s4, $0x3;
	s4 =	sadd.s32 $0x180E00, s5;
	s9 =	sand.u32 $0xFFE00000, s9  }
0x10: {  	s10 =	sadd.s32 s8, s5;
	s30 =	sand.u32 $0x380, s28;
	s9 =	sor.u32 s11, s9  }
0x11: {  	v0 =	vlaneseq.u32;
	s5 =	simm.s32 $0x1;
	s7 =	smul.u32 $0x3, s7;
	s31 =	sor.u32 s30, s9  }
0x12: {  	v1 =	vand.u32 $0x3, v0;
	s10 =	sadd.s32 $0x300E00, s10;
	s11 =	smax.u32 s12, $0x1;
	s9 =	sshrl.u32 s31, $0x3  }
0x13: {  	v2 =	vimm.f32 $1.000000000e+00;
	v0 =	vimm.f32 $0.0e+00;
	v1 =	vmul.u32 $0x6000, v1;
	s12 =	simm.s32 $0x80;
	s8 =	sadd.s32 s3, s9;
	s9 =	sadd.s32 s4, s9  }
.LBB2_1:
0x14: {  	s23 =	simm.s32 $0x40;
	s24 =	simm.s32 $0x0  }
.LBB2_2:
0x15: {  	p0 =	sne.s32 s23, $0x5FFC0;
	[tilespmem:s24+$0x0] =	vst v0;
	s24 =	smov.u32 s23;
	s23 =	sadd.s32 $0x40, s23  }
.Ltmp0:
0x16: {  	(pc) =	sbr.rel @p0 .LBB2_2-.Ltmp0, $2  }
0x17: {  	_ =	sdelay $0x2  }
0x18: {  	s24 =	sshra.s32 s24, $0x2  }
0x19: {  	[tilespmem:s24+$0x0] =	vst v0  }
0x1a: {  	[tilespmem:s14], [sflag:$0x1] =	stream.strided.gather [hbm4b:s8+s12], $0x1000, s13, s12, $0x38;
	[tilespmem:$0x1C000] =	vst v63  }
0x1b: {  	s23 =	simm.s32 $0x0  }
0x1c: {  	[tilespmem:s15], [sflag:$0x2] =	stream.strided.gather [hbm4b:s9+s12], $0x1000, s13, s12, $0x38;
	[tilespmem:$0x1C000] =	vst v63  }
.LBB2_4:
0x1d: {  	s24 =	sshrl.u32 s23, $0x4;
	s25 =	sshll.u32 s23, $0xD  }
0x1e: {  	s26 =	sadd.s32 s7, s24;
	s25 =	sand.u32 $0x1E000, s25  }
0x1f: {  	s28 =	sshll.u32 s26, $0x12;
	s25 =	sor.u32 s6, s25  }
0x20: {  	s26 =	sshll.u32 s26, $0x7;
	s28 =	sand.u32 $0xFFE00000, s28;
	s25 =	sshll.u32 s25, $0x3  }
0x21: {  	s26 =	sand.u32 $0x380, s26;
	s25 =	sor.u32 s28, s25  }
0x22: {  	s25 =	sor.u32 s26, s25  }
0x23: {  	s25 =	sshrl.u32 s25, $0x3  }
0x24: {  	s25 =	sor.u32 $0x1000, s25  }
0x25: {  	s31 =	sadd.s32 s3, s25  }
0x26: {  	[tilespmem:s16], [sflag:$0x3] =	stream.strided.gather [hbm4b:s31+s12], $0x1000, s13, s12, $0x38;
	[tilespmem:$0x1C000] =	vst v63  }
0x27: {  	s25 =	sadd.s32 s4, s25  }
0x28: {  	[tilespmem:s17], [sflag:$0x4] =	stream.strided.gather [hbm4b:s25+s12], $0x1000, s13, s12, $0x38;
	[tilespmem:$0x1C000] =	vst v63  }
0x29: {  	_ =	swait.ge [sflag:s5], $0x1000  }
0x2a: {  	[sflag:s5] =	ssyncset.done $0x0  }
0x2b: {  	[sflag:s5] =	ssyncadd.s32 $0xFFFFF000  }
0x2c: {  	_ =	swait.ge [sflag:s18], $0x1000  }
0x2d: {  	[sflag:s18] =	ssyncset.done $0x0  }
0x2e: {  	s26 =	simm.s32 $0x19020;
	[sflag:s18] =	ssyncadd.s32 $0xFFFFF000  }
0x2f: {  	v4 =	vld [tilespmem:s26+$0x10]  }
0x30: {  	v5 =	vld [tilespmem:s26+$0xFFFFFFF0]  }
0x31: {  	v6 =	vld [tilespmem:s26+$0x0]  }
0x32: {  	v7 =	vld [tilespmem:s26+$0xFFFFFFE0];
	_ =	sdelay $0x1  }
0x33: {  	s29 =	simm.s32 $0x18020  }
0x34: {  	v8 =	vld [tilespmem:s29+$0x10]  }
0x35: {  	v9 =	vld [tilespmem:s29+$0xFFFFFFF0];
	v10 =	vadd.f32 v4, v4;
	v11 =	vadd.f32 v5, v5  }
0x36: {  	v13 =	vadd.f32 v6, v6;
	v14 =	vtrunc.f32 v7;
	v4 =	vtrunc.f32 v4  }
0x37: {  	s30 =	sshll.u32 s23, $0x9;
	v12 =	vld [tilespmem:s29+$0x0];
	v7 =	vadd.f32 v7, v7;
	v5 =	vtrunc.f32 v5;
	v10 =	vadd.f32 $-1.000000000e+00, v10  }
0x38: {  	s25 =	sand.u32 $0x6000, s30;
	v6 =	vtrunc.f32 v6;
	v4 =	vcvt.f32.s32 v4;
	v11 =	vadd.f32 $-1.000000000e+00, v11  }
0x39: {  	v3 =	vadd.s32 s25, v1;
	v5 =	vcvt.f32.s32 v5;
	v8 =	vmul.f32 v10, v8  }
0x3a: {  	v7 =	vadd.f32 $-1.000000000e+00, v7;
	v10 =	vadd.f32 $-1.000000000e+00, v13;
	v13 =	vld [tilespmem:s29+$0xFFFFFFE0];
	v9 =	vmul.f32 v11, v9  }
0x3b: {  	v11 =	vcvt.f32.s32 v14;
	v14 =	vcvt.f32.s32 v6;
	v8 =	vsub.f32 $1.000000000e+00, v8  }
0x3c: {  	v10 =	vmul.f32 v10, v12;
	v9 =	vsub.f32 $1.000000000e+00, v9;
	v12 =	vshll.u32 v4, $0xB  }
0x3d: {  	v11 =	vshll.u32 v11, $0xB;
	v14 =	vshll.u32 v14, $0xB;
	v8 =	vmax.f32 v8, $0.0e+00  }
0x3e: {  	v12 =	vadd.s32 v3, v12;
	v10 =	vsub.f32 $1.000000000e+00, v10;
	v6 =	vmul.f32 $3.200000000e+01, v8  }
0x3f: {  	v11 =	vadd.s32 v3, v11;
	v9 =	vmax.f32 v9, $0.0e+00;
	v7 =	vmul.f32 v7, v13  }
0x40: {  	v4 =	vmax.f32 v10, $0.0e+00;
	v10 =	vmul.f32 $3.200000000e+01, v9;
	v6 =	vmin.f32 v6, $2.047000000e+03  }
0x41: {  	v14 =	vadd.s32 v3, v14;
	v13 =	vmul.f32 $3.200000000e+01, v4;
	v6 =	vtrunc.f32 v6  }
0x42: {  	v7 =	vsub.f32 $1.000000000e+00, v7;
	v10 =	vmin.f32 v10, $2.047000000e+03;
	v15 =	vcvt.f32.s32 v6  }
0x43: {  	v6 =	vmin.f32 v13, $2.047000000e+03;
	v13 =	vshll.u32 v5, $0xB;
	v10 =	vtrunc.f32 v10  }
0x44: {  	s31 =	simm.s32 $0x19060;
	v5 =	vmax.f32 v7, $0.0e+00;
	v6 =	vtrunc.f32 v6;
	v10 =	vcvt.f32.s32 v10  }
0x45: {  	v18 =	vld [tilespmem:s31+$0xFFFFFFE0];
	v13 =	vadd.s32 v3, v13;
	v6 =	vcvt.f32.s32 v6;
	v7 =	vcvt.s32.f32 v15  }
0x46: {  	v16 =	vadd.s32 v15, v12;
	v12 =	vmul.f32 $3.200000000e+01, v5;
	v15 =	vand.u32 $0x7F, v15  }
0x47: {  	v19 =	vld [tilespmem:s31+$0x0];
	v17 =	vand.u32 $0xFFFFFF80, v16;
	v21 =	vadd.s32 v10, v13;
	v7 =	vmul.f32 $3.125000000e-02, v7  }
0x48: {  	v15 =	vor.u32 v15, v17;
	v12 =	vmin.f32 v12, $2.047000000e+03;
	v17 =	vld [tilespmem:s31+$0x10];
	v23 =	vand.u32 $0xFFFFFF80, v21  }
0x49: {  	v12 =	vtrunc.f32 v12;
	v22 =	vadd.s32 $0x1000, v15;
	v20 =	vsub.f32 v8, v7;
	v8 =	vld [tilespmem:s31+$0xFFFFFFF0]  }
0x4a: {  	v15 =	vadd.f32 v18, v18;
	v18 =	vtrunc.f32 v18;
	v12 =	vcvt.f32.s32 v12  }
0x4b: {  	s25 =	simm.s32 $0x18060;
	v7 =	vand.u32 $0x7F, v10;
	v10 =	vcvt.s32.f32 v10;
	v18 =	vcvt.f32.s32 v18  }
0x4c: {  	v13 =	vld [tilespmem:s25+$0x10];
	v7 =	vor.u32 v7, v23;
	v23 =	vadd.f32 v19, v19;
	v24 =	vand.u32 $0x7F, v12  }
0x4d: {  	v26 =	vadd.s32 v12, v11;
	v11 =	vld [tilespmem:s25+$0xFFFFFFF0];
	v10 =	vmul.f32 $3.125000000e-02, v10;
	v25 =	vadd.f32 v17, v17  }
0x4e: {  	v28 =	vadd.s32 $0x1000, v7;
	v17 =	vtrunc.f32 v17;
	v61 =	vadd.f32 v8, v8  }
0x4f: {  	v62 =	vcvt.s32.f32 v12;
	v7 =	vcvt.f32.s32 v17;
	v17 =	vld [tilespmem:s25+$0x0];
	v25 =	vadd.f32 $-1.000000000e+00, v25  }
0x50: {  	v12 =	vtrunc.f32 v19;
	v29 =	vsub.f32 v9, v10;
	v9 =	vld [tilespmem:s25+$0xFFFFFFE0];
	v10 =	vadd.f32 $-1.000000000e+00, v61  }
0x51: {  	v27 =	vand.u32 $0xFFFFFF80, v26;
	v8 =	vtrunc.f32 v8;
	v13 =	vmul.f32 v25, v13  }
0x52: {  	v63 =	vshll.u32 v7, $0xB;
	v10 =	vmul.f32 v10, v11;
	v11 =	vadd.f32 $-1.000000000e+00, v23  }
0x53: {  	v7 =	vadd.f32 $-1.000000000e+00, v15;
	v8 =	vcvt.f32.s32 v8;
	v13 =	vsub.f32 $1.000000000e+00, v13  }
0x54: {  	v24 =	vor.u32 v24, v27;
	v15 =	vcvt.f32.s32 v12;
	v11 =	vmul.f32 v11, v17  }
0x55: {  	v19 =	vsub.f32 $1.000000000e+00, v10;
	v17 =	vmul.f32 v7, v9;
	v12 =	vmax.f32 v13, $0.0e+00  }
0x56: {  	v10 =	vshll.u32 v18, $0xB;
	v9 =	vsub.f32 $1.000000000e+00, v11;
	v11 =	vmul.f32 $3.200000000e+01, v12  }
0x57: {  	v18 =	vshll.u32 v8, $0xB;
	v13 =	vmul.f32 $3.125000000e-02, v62;
	v7 =	vmax.f32 v19, $0.0e+00  }
0x58: {  	[tilespmem:v16+s2+$0x0] =	vst.idx.add.f32.msk $0xffff, v2;
	v19 =	vmul.f32 $3.200000000e+01, v7;
	v8 =	vmax.f32 v9, $0.0e+00;
	v9 =	vmin.f32 v11, $2.047000000e+03  }
0x59: {  	[tilespmem:v22+s2+$0x0] =	vst.idx.add.f32.msk $0xffff, v20;
	v20 =	vadd.s32 v3, v63;
	v11 =	vmul.f32 $3.200000000e+01, v8;
	v23 =	vtrunc.f32 v9  }
0x5a: {  	v16 =	vsub.f32 $1.000000000e+00, v17;
	v17 =	vmin.f32 v19, $2.047000000e+03;
	v23 =	vcvt.f32.s32 v23  }
0x5b: {  	v9 =	vadd.s32 $0x1000, v24;
	v17 =	vtrunc.f32 v17;
	v19 =	vmin.f32 v11, $2.047000000e+03  }
0x5c: {  	[tilespmem:v21+s2+$0x0] =	vst.idx.add.f32.msk $0xffff, v2;
	v11 =	vmax.f32 v16, $0.0e+00;
	v16 =	vtrunc.f32 v19;
	v19 =	vadd.s32 v23, v20  }
0x5d: {  	[tilespmem:v26+s2+$0x0] =	vst.idx.add.f32.msk $0xffff, v2;
	v17 =	vcvt.f32.s32 v17;
	v22 =	vand.u32 $0x7F, v23;
	v20 =	vand.u32 $0xFFFFFF80, v19  }
0x5e: {  	s28 =	simm.s32 $0x190A0;
	s26 =	simm.s32 $0x4;
	[tilespmem:v28+s2+$0x0] =	vst.idx.add.f32.msk $0xffff, v29;
	v21 =	vcvt.s32.f32 v23;
	v16 =	vcvt.f32.s32 v16;
	v20 =	vor.u32 v22, v20  }
.LBB2_5:
0x5f: {  	v22 =	vld [tilespmem:s28+$0xFFFFFFE0];
	s26 =	sadd.s32 $0x4, s26;
	v23 =	vmul.f32 $3.200000000e+01, v11;
	v18 =	vadd.s32 v3, v18;
	v24 =	vshll.u32 v15, $0xB;
	s25 =	sadd.s32 $0x40, s25  }
0x60: {  	v25 =	vcvt.s32.f32 v6;
	v14 =	vadd.s32 v6, v14;
	v15 =	vld [tilespmem:s25+$0x10];
	p0 =	slt.u32 s26, $0xFC;
	v21 =	vmul.f32 $3.125000000e-02, v21  }
0x61: {  	v26 =	vand.u32 $0x7F, v6;
	v6 =	vmovc v16;
	v23 =	vmin.f32 v23, $2.047000000e+03;
	[tilespmem:v19+s2+$0x0] =	vst.idx.add.f32.msk $0xffff, v2;
	v19 =	vand.u32 $0xFFFFFF80, v14  }
0x62: {  	v16 =	vld [tilespmem:s28+$0x10];
	v23 =	vtrunc.f32 v23;
	v12 =	vsub.f32 v12, v21;
	v19 =	vor.u32 v26, v19  }
0x63: {  	v13 =	vsub.f32 v5, v13;
	v5 =	vmovc v11;
	v25 =	vmul.f32 $3.125000000e-02, v25;
	v21 =	vld [tilespmem:s28+$0x0];
	v19 =	vadd.s32 $0x1000, v19  }
0x64: {  	v20 =	vadd.s32 $0x1000, v20;
	v18 =	vadd.s32 v17, v18;
	v26 =	vand.u32 $0x7F, v17;
	v11 =	vld [tilespmem:s28+$0xFFFFFFF0]  }
0x65: {  	v10 =	vadd.s32 v3, v10;
	v23 =	vcvt.f32.s32 v23;
	v25 =	vsub.f32 v4, v25;
	[tilespmem:v14+s2+$0x0] =	vst.idx.add.f32.msk $0xffff, v2  }
0x66: {  	v28 =	vand.u32 $0xFFFFFF80, v18;
	v4 =	vmovc v8;
	v14 =	vadd.f32 v22, v22;
	v22 =	vtrunc.f32 v22;
	v27 =	vld [tilespmem:s25+$0xFFFFFFF0]  }
0x67: {  	v17 =	vcvt.s32.f32 v17;
	v26 =	vor.u32 v26, v28;
	v8 =	vand.u32 $0x7F, v23;
	[tilespmem:v9+s2+$0x0] =	vst.idx.add.f32.msk $0xffff, v13  }
0x68: {  	v10 =	vadd.s32 v23, v10;
	v13 =	vadd.s32 $0x1000, v26;
	v9 =	vadd.f32 v21, v21;
	[tilespmem:v19+s2+$0x0] =	vst.idx.add.f32.msk $0xffff, v25  }
0x69: {  	v23 =	vcvt.s32.f32 v23;
	v19 =	vadd.f32 v16, v16;
	v16 =	vtrunc.f32 v16;
	[tilespmem:v20+s2+$0x0] =	vst.idx.add.f32.msk $0xffff, v12  }
0x6a: {  	v17 =	vmul.f32 $3.125000000e-02, v17;
	v12 =	vadd.f32 v11, v11;
	v16 =	vcvt.f32.s32 v16;
	[tilespmem:v18+s2+$0x0] =	vst.idx.add.f32.msk $0xffff, v2  }
0x6b: {  	v11 =	vtrunc.f32 v11;
	v20 =	vand.u32 $0xFFFFFF80, v10;
	v19 =	vadd.f32 $-1.000000000e+00, v19;
	v18 =	vld [tilespmem:s25+$0x0]  }
0x6c: {  	v20 =	vor.u32 v8, v20;
	v12 =	vadd.f32 $-1.000000000e+00, v12;
	v16 =	vshll.u32 v16, $0xB;
	v25 =	vld [tilespmem:s25+$0xFFFFFFE0]  }
0x6d: {  	v7 =	vsub.f32 v7, v17;
	v8 =	vadd.f32 $-1.000000000e+00, v14;
	v14 =	vmul.f32 v19, v15;
	[tilespmem:v10+s2+$0x0] =	vst.idx.add.f32.msk $0xffff, v2  }
0x6e: {  	v11 =	vcvt.f32.s32 v11;
	v9 =	vadd.f32 $-1.000000000e+00, v9;
	v10 =	vmul.f32 v12, v27  }
0x6f: {  	v17 =	vcvt.f32.s32 v22;
	v12 =	vtrunc.f32 v21;
	v14 =	vsub.f32 $1.000000000e+00, v14;
	[tilespmem:v13+s2+$0x0] =	vst.idx.add.f32.msk $0xffff, v7  }
0x70: {  	v15 =	vcvt.f32.s32 v12;
	v7 =	vsub.f32 $1.000000000e+00, v10;
	v9 =	vmul.f32 v9, v18  }
0x71: {  	v12 =	vmax.f32 v14, $0.0e+00;
	v14 =	vadd.s32 v3, v24;
	v19 =	vmul.f32 v8, v25  }
0x72: {  	v10 =	vshll.u32 v17, $0xB;
	v8 =	vsub.f32 $1.000000000e+00, v9;
	v9 =	vmul.f32 $3.200000000e+01, v12  }
0x73: {  	v13 =	vmul.f32 $3.125000000e-02, v23;
	v18 =	vshll.u32 v11, $0xB;
	v7 =	vmax.f32 v7, $0.0e+00  }
0x74: {  	v11 =	vmul.f32 $3.200000000e+01, v7;
	v8 =	vmax.f32 v8, $0.0e+00;
	v9 =	vmin.f32 v9, $2.047000000e+03  }
0x75: {  	v17 =	vmul.f32 $3.200000000e+01, v8;
	v21 =	vtrunc.f32 v9;
	v9 =	vadd.s32 $0x1000, v20  }
.Ltmp1:
0x76: {  	v19 =	vsub.f32 $1.000000000e+00, v19;
	v11 =	vmin.f32 v11, $2.047000000e+03;
	v20 =	vcvt.f32.s32 v21;
	(pc) =	sbr.rel @p0 .LBB2_5-.Ltmp1, $4  }
0x77: {  	v16 =	vadd.s32 v3, v16;
	v21 =	vtrunc.f32 v11;
	v17 =	vmin.f32 v17, $2.047000000e+03  }
0x78: {  	v11 =	vmax.f32 v19, $0.0e+00;
	v17 =	vtrunc.f32 v17;
	v19 =	vadd.s32 v20, v16  }
0x79: {  	v23 =	vand.u32 $0x7F, v20;
	v16 =	vcvt.f32.s32 v17;
	v22 =	vand.u32 $0xFFFFFF80, v19  }
0x7a: {  	s28 =	sadd.s32 $0x40, s28;
	v17 =	vcvt.f32.s32 v21;
	v21 =	vcvt.s32.f32 v20;
	v20 =	vor.u32 v23, v22  }
0x7b: {  	v22 =	vmul.f32 $3.200000000e+01, v11;
	v18 =	vadd.s32 v3, v18  }
0x7c: {  	v15 =	vshll.u32 v15, $0xB;
	v14 =	vadd.s32 v6, v14;
	v23 =	vcvt.s32.f32 v6  }
0x7d: {  	v6 =	vand.u32 $0x7F, v6;
	v5 =	vsub.f32 v5, v13;
	v20 =	vadd.s32 $0x1000, v20  }
0x7e: {  	v10 =	vadd.s32 v3, v10;
	v21 =	vmul.f32 $3.125000000e-02, v21;
	v24 =	vand.u32 $0xFFFFFF80, v14  }
0x7f: {  	v18 =	vadd.s32 v17, v18;
	v3 =	vadd.s32 v3, v15;
	v22 =	vmin.f32 v22, $2.047000000e+03  }
0x80: {  	v6 =	vor.u32 v6, v24;
	v13 =	vmul.f32 $3.125000000e-02, v23;
	v22 =	vtrunc.f32 v22  }
0x81: {  	v12 =	vsub.f32 v12, v21;
	v6 =	vadd.s32 $0x1000, v6;
	v21 =	vcvt.f32.s32 v22  }
0x82: {  	v22 =	vand.u32 $0x7F, v17;
	v4 =	vsub.f32 v4, v13;
	v13 =	vand.u32 $0xFFFFFF80, v18  }
0x83: {  	p0 =	seq.s32 s23, $0x2F;
	[tilespmem:v19+s2+$0x0] =	vst.idx.add.f32.msk $0xffff, v2;
	v3 =	vadd.s32 v16, v3;
	v17 =	vcvt.s32.f32 v17;
	v13 =	vor.u32 v22, v13  }
0x84: {  	s25 =	sshll.u32 @!p0 s23, $0x1;
	[tilespmem:v9+s2+$0x0] =	vst.idx.add.f32.msk $0xffff, v5;
	v23 =	vand.u32 $0x7F, v21;
	v10 =	vadd.s32 v21, v10;
	v13 =	vadd.s32 $0x1000, v13  }
0x85: {  	s25 =	sadd.s32 @!p0 $0x2, s25;
	[tilespmem:v14+s2+$0x0] =	vst.idx.add.f32.msk $0xffff, v2;
	v14 =	vcvt.s32.f32 v21;
	v5 =	vmul.f32 $3.125000000e-02, v17;
	v9 =	vand.u32 $0xFFFFFF80, v10  }
0x86: {  	s26 =	sshrl.u32 @!p0 s25, $0x5;
	s25 =	sshll.u32 @!p0 s25, $0xC;
	[tilespmem:v6+s2+$0x0] =	vst.idx.add.f32.msk $0xffff, v4;
	v4 =	vor.u32 v23, v9;
	v6 =	vand.u32 $0xFFFFFF80, v3;
	v9 =	vand.u32 $0x7F, v16  }
0x87: {  	s26 =	sadd.s32 @!p0 s7, s26;
	s25 =	sand.u32 @!p0 $0x1E000, s25;
	[tilespmem:v20+s2+$0x0] =	vst.idx.add.f32.msk $0xffff, v12;
	v12 =	vcvt.s32.f32 v16;
	v4 =	vadd.s32 $0x1000, v4;
	v6 =	vor.u32 v9, v6  }
0x88: {  	s28 =	sshll.u32 @!p0 s26, $0x12;
	s25 =	sor.u32 @!p0 s6, s25;
	[tilespmem:v18+s2+$0x0] =	vst.idx.add.f32.msk $0xffff, v2;
	v5 =	vsub.f32 v7, v5;
	v7 =	vmul.f32 $3.125000000e-02, v14;
	v6 =	vadd.s32 $0x1000, v6  }
0x89: {  	s26 =	sshll.u32 @!p0 s26, $0x7;
	s28 =	sand.u32 @!p0 $0xFFE00000, s28;
	s25 =	sshll.u32 @!p0 s25, $0x3;
	[tilespmem:v3+s2+$0x0] =	vst.idx.add.f32.msk $0xffff, v2;
	v9 =	vmul.f32 $3.125000000e-02, v12  }
0x8a: {  	s26 =	sand.u32 @!p0 $0x380, s26;
	s25 =	sor.u32 @!p0 s25, s28;
	[tilespmem:v13+s2+$0x0] =	vst.idx.add.f32.msk $0xffff, v5;
	v5 =	vsub.f32 v11, v7  }
0x8b: {  	s25 =	sor.u32 @!p0 s26, s25;
	[tilespmem:v10+s2+$0x0] =	vst.idx.add.f32.msk $0xffff, v2;
	v7 =	vsub.f32 v8, v9  }
0x8c: {  	s29 =	simm.s32 @!p0 $0x400;
	s25 =	sshrl.u32 @!p0 s25, $0x3;
	[tilespmem:v4+s2+$0x0] =	vst.idx.add.f32.msk $0xffff, v5  }
0x8d: {  	s30 =	simm.s32 @!p0 $0x18000;
	s28 =	simm.s32 @!p0 $0x80;
	s26 =	sadd.s32 @!p0 s3, s25;
	[tilespmem:v6+s2+$0x0] =	vst.idx.add.f32.msk $0xffff, v7  }
0x8e: {  	[tilespmem:s30], [sflag:$0x1] =	stream.strided.gather @!p0 [hbm4b:s26+s28], $0x1000, s29, s28, $0x38;
	[tilespmem:$0x1C000] =	vst v63  }
0x8f: {  	s25 =	sadd.s32 @!p0 s4, s25;
	s26 =	simm.s32 @!p0 $0x19000  }
0x90: {  	[tilespmem:s26], [sflag:$0x2] =	stream.strided.gather @!p0 [hbm4b:s25+s28], $0x1000, s29, s28, $0x38;
	[tilespmem:$0x1C000] =	vst v63  }
0x91: {  	_ =	swait.ge [sflag:s19], $0x1000  }
0x92: {  	[sflag:s19] =	ssyncset.done $0x0  }
0x93: {  	[sflag:s19] =	ssyncadd.s32 $0xFFFFF000  }
0x94: {  	_ =	swait.ge [sflag:s20], $0x1000  }
0x95: {  	[sflag:s20] =	ssyncset.done $0x0  }
0x96: {  	s29 =	simm.s32 $0x1B020;
	[sflag:s20] =	ssyncadd.s32 $0xFFFFF000  }
0x97: {  	v4 =	vld [tilespmem:s29+$0x10]  }
0x98: {  	v5 =	vld [tilespmem:s29+$0xFFFFFFF0]  }
0x99: {  	v6 =	vld [tilespmem:s29+$0x0]  }
0x9a: {  	v7 =	vld [tilespmem:s29+$0xFFFFFFE0];
	_ =	sdelay $0x1  }
0x9b: {  	s30 =	simm.s32 $0x1A020  }
0x9c: {  	v8 =	vld [tilespmem:s30+$0x10]  }
0x9d: {  	v9 =	vld [tilespmem:s30+$0xFFFFFFF0];
	v10 =	vadd.f32 v4, v4;
	v11 =	vadd.f32 v5, v5  }
0x9e: {  	v13 =	vadd.f32 v6, v6;
	v14 =	vtrunc.f32 v7;
	v4 =	vtrunc.f32 v4  }
0x9f: {  	v12 =	vld [tilespmem:s30+$0x0];
	v7 =	vadd.f32 v7, v7;
	v5 =	vtrunc.f32 v5;
	v10 =	vadd.f32 $-1.000000000e+00, v10  }
0xa0: {  	s24 =	sshll.u32 s24, $0xD;
	v6 =	vtrunc.f32 v6;
	v4 =	vcvt.f32.s32 v4;
	v11 =	vadd.f32 $-1.000000000e+00, v11  }
0xa1: {  	v3 =	vadd.s32 s24, v1;
	v5 =	vcvt.f32.s32 v5;
	v8 =	vmul.f32 v10, v8  }
0xa2: {  	v7 =	vadd.f32 $-1.000000000e+00, v7;
	v10 =	vadd.f32 $-1.000000000e+00, v13;
	v13 =	vld [tilespmem:s30+$0xFFFFFFE0];
	v9 =	vmul.f32 v11, v9  }
0xa3: {  	v11 =	vcvt.f32.s32 v14;
	v14 =	vcvt.f32.s32 v6;
	v8 =	vsub.f32 $1.000000000e+00, v8  }
0xa4: {  	v10 =	vmul.f32 v10, v12;
	v9 =	vsub.f32 $1.000000000e+00, v9;
	v12 =	vshll.u32 v4, $0xB  }
0xa5: {  	v11 =	vshll.u32 v11, $0xB;
	v14 =	vshll.u32 v14, $0xB;
	v8 =	vmax.f32 v8, $0.0e+00  }
0xa6: {  	v12 =	vadd.s32 v3, v12;
	v10 =	vsub.f32 $1.000000000e+00, v10;
	v6 =	vmul.f32 $3.200000000e+01, v8  }
0xa7: {  	v11 =	vadd.s32 v3, v11;
	v9 =	vmax.f32 v9, $0.0e+00;
	v7 =	vmul.f32 v7, v13  }
0xa8: {  	v4 =	vmax.f32 v10, $0.0e+00;
	v10 =	vmul.f32 $3.200000000e+01, v9;
	v6 =	vmin.f32 v6, $2.047000000e+03  }
0xa9: {  	v14 =	vadd.s32 v3, v14;
	v13 =	vmul.f32 $3.200000000e+01, v4;
	v6 =	vtrunc.f32 v6  }
0xaa: {  	v7 =	vsub.f32 $1.000000000e+00, v7;
	v10 =	vmin.f32 v10, $2.047000000e+03;
	v15 =	vcvt.f32.s32 v6  }
0xab: {  	v6 =	vmin.f32 v13, $2.047000000e+03;
	v13 =	vshll.u32 v5, $0xB;
	v10 =	vtrunc.f32 v10  }
0xac: {  	s31 =	simm.s32 $0x1B060;
	v5 =	vmax.f32 v7, $0.0e+00;
	v6 =	vtrunc.f32 v6;
	v10 =	vcvt.f32.s32 v10  }
0xad: {  	v18 =	vld [tilespmem:s31+$0xFFFFFFE0];
	v13 =	vadd.s32 v3, v13;
	v6 =	vcvt.f32.s32 v6;
	v7 =	vcvt.s32.f32 v15  }
0xae: {  	v16 =	vadd.s32 v15, v12;
	v12 =	vmul.f32 $3.200000000e+01, v5;
	v15 =	vand.u32 $0x7F, v15  }
0xaf: {  	v19 =	vld [tilespmem:s31+$0x0];
	v17 =	vand.u32 $0xFFFFFF80, v16;
	v21 =	vadd.s32 v10, v13;
	v7 =	vmul.f32 $3.125000000e-02, v7  }
0xb0: {  	v15 =	vor.u32 v15, v17;
	v12 =	vmin.f32 v12, $2.047000000e+03;
	v17 =	vld [tilespmem:s31+$0x10];
	v23 =	vand.u32 $0xFFFFFF80, v21  }
0xb1: {  	v12 =	vtrunc.f32 v12;
	v22 =	vadd.s32 $0x1000, v15;
	v20 =	vsub.f32 v8, v7;
	v8 =	vld [tilespmem:s31+$0xFFFFFFF0]  }
0xb2: {  	v15 =	vadd.f32 v18, v18;
	v18 =	vtrunc.f32 v18;
	v12 =	vcvt.f32.s32 v12  }
0xb3: {  	s24 =	simm.s32 $0x1A060;
	v7 =	vand.u32 $0x7F, v10;
	v10 =	vcvt.s32.f32 v10;
	v18 =	vcvt.f32.s32 v18  }
0xb4: {  	v13 =	vld [tilespmem:s24+$0x10];
	v7 =	vor.u32 v7, v23;
	v23 =	vadd.f32 v19, v19;
	v59 =	vand.u32 $0x7F, v12  }
0xb5: {  	v26 =	vadd.s32 v12, v11;
	v11 =	vld [tilespmem:s24+$0xFFFFFFF0];
	v10 =	vmul.f32 $3.125000000e-02, v10;
	v25 =	vadd.f32 v17, v17  }
0xb6: {  	v28 =	vadd.s32 $0x1000, v7;
	v17 =	vtrunc.f32 v17;
	v60 =	vadd.f32 v8, v8  }
0xb7: {  	v61 =	vcvt.s32.f32 v12;
	v7 =	vcvt.f32.s32 v17;
	v17 =	vld [tilespmem:s24+$0x0];
	v25 =	vadd.f32 $-1.000000000e+00, v25  }
0xb8: {  	v12 =	vtrunc.f32 v19;
	v29 =	vsub.f32 v9, v10;
	v9 =	vld [tilespmem:s24+$0xFFFFFFE0];
	v10 =	vadd.f32 $-1.000000000e+00, v60  }
0xb9: {  	v27 =	vand.u32 $0xFFFFFF80, v26;
	v8 =	vtrunc.f32 v8;
	v13 =	vmul.f32 v25, v13  }
0xba: {  	v62 =	vshll.u32 v7, $0xB;
	v10 =	vmul.f32 v10, v11;
	v11 =	vadd.f32 $-1.000000000e+00, v23  }
0xbb: {  	v7 =	vadd.f32 $-1.000000000e+00, v15;
	v8 =	vcvt.f32.s32 v8;
	v13 =	vsub.f32 $1.000000000e+00, v13  }
0xbc: {  	v24 =	vor.u32 v59, v27;
	v15 =	vcvt.f32.s32 v12;
	v11 =	vmul.f32 v11, v17  }
0xbd: {  	v10 =	vsub.f32 $1.000000000e+00, v10;
	v17 =	vmul.f32 v7, v9;
	v12 =	vmax.f32 v13, $0.0e+00  }
0xbe: {  	v9 =	vshll.u32 v18, $0xB;
	v19 =	vmul.f32 $3.200000000e+01, v12;
	v11 =	vsub.f32 $1.000000000e+00, v11  }
0xbf: {  	v18 =	vshll.u32 v8, $0xB;
	v13 =	vmul.f32 $3.125000000e-02, v61;
	v7 =	vmax.f32 v10, $0.0e+00  }
0xc0: {  	v23 =	vmul.f32 $3.200000000e+01, v7;
	v10 =	vmin.f32 v19, $2.047000000e+03;
	v8 =	vmax.f32 v11, $0.0e+00  }
0xc1: {  	[tilespmem:v16+s2+$0x0] =	vst.idx.add.f32.msk $0xffff, v2;
	v16 =	vsub.f32 $1.000000000e+00, v17;
	v19 =	vtrunc.f32 v10;
	v11 =	vmul.f32 $3.200000000e+01, v8  }
0xc2: {  	v10 =	vadd.s32 $0x1000, v24;
	v17 =	vmin.f32 v23, $2.047000000e+03;
	v23 =	vcvt.f32.s32 v19  }
0xc3: {  	[tilespmem:v22+s2+$0x0] =	vst.idx.add.f32.msk $0xffff, v20;
	v19 =	vadd.s32 v3, v62;
	v20 =	vtrunc.f32 v17;
	v17 =	vmin.f32 v11, $2.047000000e+03  }
0xc4: {  	[tilespmem:v21+s2+$0x0] =	vst.idx.add.f32.msk $0xffff, v2;
	v11 =	vmax.f32 v16, $0.0e+00;
	v19 =	vadd.s32 v23, v19;
	v63 =	vand.u32 $0x7F, v23  }
0xc5: {  	[tilespmem:v26+s2+$0x0] =	vst.idx.add.f32.msk $0xffff, v2;
	v21 =	vcvt.s32.f32 v23;
	v16 =	vtrunc.f32 v17;
	v22 =	vand.u32 $0xFFFFFF80, v19  }
0xc6: {  	s25 =	simm.s32 $0x4;
	s26 =	simm.s32 $0x1B0A0;
	[tilespmem:v28+s2+$0x0] =	vst.idx.add.f32.msk $0xffff, v29;
	v17 =	vcvt.f32.s32 v16;
	v16 =	vcvt.f32.s32 v20;
	v20 =	vor.u32 v63, v22  }
.LBB2_7:
0xc7: {  	v22 =	vld [tilespmem:s26+$0xFFFFFFE0];
	s25 =	sadd.s32 $0x4, s25;
	v23 =	vmul.f32 $3.200000000e+01, v11;
	v18 =	vadd.s32 v3, v18;
	v24 =	vshll.u32 v15, $0xB;
	s24 =	sadd.s32 $0x40, s24  }
0xc8: {  	v25 =	vcvt.s32.f32 v6;
	v14 =	vadd.s32 v6, v14;
	v15 =	vld [tilespmem:s24+$0x10];
	p0 =	slt.u32 s25, $0xFC;
	v21 =	vmul.f32 $3.125000000e-02, v21  }
0xc9: {  	v26 =	vand.u32 $0x7F, v6;
	v6 =	vmovc v17;
	v23 =	vmin.f32 v23, $2.047000000e+03;
	[tilespmem:v19+s2+$0x0] =	vst.idx.add.f32.msk $0xffff, v2;
	v19 =	vand.u32 $0xFFFFFF80, v14  }
0xca: {  	v17 =	vld [tilespmem:s26+$0x10];
	v23 =	vtrunc.f32 v23;
	v12 =	vsub.f32 v12, v21;
	v19 =	vor.u32 v26, v19  }
0xcb: {  	v13 =	vsub.f32 v5, v13;
	v5 =	vmovc v11;
	v25 =	vmul.f32 $3.125000000e-02, v25;
	v21 =	vld [tilespmem:s26+$0x0];
	v19 =	vadd.s32 $0x1000, v19  }
0xcc: {  	v20 =	vadd.s32 $0x1000, v20;
	v18 =	vadd.s32 v16, v18;
	v26 =	vand.u32 $0x7F, v16;
	v11 =	vld [tilespmem:s26+$0xFFFFFFF0]  }
0xcd: {  	v9 =	vadd.s32 v3, v9;
	v23 =	vcvt.f32.s32 v23;
	v25 =	vsub.f32 v4, v25;
	[tilespmem:v14+s2+$0x0] =	vst.idx.add.f32.msk $0xffff, v2  }
0xce: {  	v28 =	vand.u32 $0xFFFFFF80, v18;
	v4 =	vmovc v8;
	v14 =	vadd.f32 v22, v22;
	v22 =	vtrunc.f32 v22;
	v27 =	vld [tilespmem:s24+$0xFFFFFFF0]  }
0xcf: {  	v16 =	vcvt.s32.f32 v16;
	v26 =	vor.u32 v26, v28;
	v8 =	vand.u32 $0x7F, v23;
	[tilespmem:v10+s2+$0x0] =	vst.idx.add.f32.msk $0xffff, v13  }
0xd0: {  	v9 =	vadd.s32 v23, v9;
	v13 =	vadd.s32 $0x1000, v26;
	v10 =	vadd.f32 v21, v21;
	[tilespmem:v19+s2+$0x0] =	vst.idx.add.f32.msk $0xffff, v25  }
0xd1: {  	v23 =	vcvt.s32.f32 v23;
	v19 =	vadd.f32 v17, v17;
	v17 =	vtrunc.f32 v17;
	[tilespmem:v20+s2+$0x0] =	vst.idx.add.f32.msk $0xffff, v12  }
0xd2: {  	v16 =	vmul.f32 $3.125000000e-02, v16;
	v12 =	vadd.f32 v11, v11;
	v17 =	vcvt.f32.s32 v17;
	[tilespmem:v18+s2+$0x0] =	vst.idx.add.f32.msk $0xffff, v2  }
0xd3: {  	v11 =	vtrunc.f32 v11;
	v20 =	vand.u32 $0xFFFFFF80, v9;
	v19 =	vadd.f32 $-1.000000000e+00, v19;
	v18 =	vld [tilespmem:s24+$0x0]  }
0xd4: {  	v20 =	vor.u32 v8, v20;
	v12 =	vadd.f32 $-1.000000000e+00, v12;
	v17 =	vshll.u32 v17, $0xB;
	v25 =	vld [tilespmem:s24+$0xFFFFFFE0]  }
0xd5: {  	v7 =	vsub.f32 v7, v16;
	v8 =	vadd.f32 $-1.000000000e+00, v14;
	v14 =	vmul.f32 v19, v15;
	[tilespmem:v9+s2+$0x0] =	vst.idx.add.f32.msk $0xffff, v2  }
0xd6: {  	v11 =	vcvt.f32.s32 v11;
	v10 =	vadd.f32 $-1.000000000e+00, v10;
	v9 =	vmul.f32 v12, v27  }
0xd7: {  	v16 =	vcvt.f32.s32 v22;
	v12 =	vtrunc.f32 v21;
	v14 =	vsub.f32 $1.000000000e+00, v14;
	[tilespmem:v13+s2+$0x0] =	vst.idx.add.f32.msk $0xffff, v7  }
0xd8: {  	v15 =	vcvt.f32.s32 v12;
	v7 =	vsub.f32 $1.000000000e+00, v9;
	v10 =	vmul.f32 v10, v18  }
0xd9: {  	v12 =	vmax.f32 v14, $0.0e+00;
	v14 =	vadd.s32 v3, v24;
	v19 =	vmul.f32 v8, v25  }
0xda: {  	v9 =	vshll.u32 v16, $0xB;
	v8 =	vsub.f32 $1.000000000e+00, v10;
	v10 =	vmul.f32 $3.200000000e+01, v12  }
0xdb: {  	v13 =	vmul.f32 $3.125000000e-02, v23;
	v18 =	vshll.u32 v11, $0xB;
	v7 =	vmax.f32 v7, $0.0e+00  }
0xdc: {  	v11 =	vmul.f32 $3.200000000e+01, v7;
	v8 =	vmax.f32 v8, $0.0e+00;
	v10 =	vmin.f32 v10, $2.047000000e+03  }
0xdd: {  	v16 =	vmul.f32 $3.200000000e+01, v8;
	v21 =	vtrunc.f32 v10;
	v10 =	vadd.s32 $0x1000, v20  }
.Ltmp2:
0xde: {  	v19 =	vsub.f32 $1.000000000e+00, v19;
	v11 =	vmin.f32 v11, $2.047000000e+03;
	v20 =	vcvt.f32.s32 v21;
	(pc) =	sbr.rel @p0 .LBB2_7-.Ltmp2, $4  }
0xdf: {  	v17 =	vadd.s32 v3, v17;
	v21 =	vtrunc.f32 v11;
	v16 =	vmin.f32 v16, $2.047000000e+03  }
0xe0: {  	v11 =	vmax.f32 v19, $0.0e+00;
	v16 =	vtrunc.f32 v16;
	v19 =	vadd.s32 v20, v17  }
0xe1: {  	v23 =	vand.u32 $0x7F, v20;
	v17 =	vcvt.f32.s32 v16;
	v22 =	vand.u32 $0xFFFFFF80, v19  }
0xe2: {  	s26 =	sadd.s32 $0x40, s26;
	v16 =	vcvt.f32.s32 v21;
	v21 =	vcvt.s32.f32 v20;
	v20 =	vor.u32 v23, v22  }
0xe3: {  	v22 =	vmul.f32 $3.200000000e+01, v11;
	v18 =	vadd.s32 v3, v18  }
0xe4: {  	v15 =	vshll.u32 v15, $0xB;
	v23 =	vcvt.s32.f32 v6;
	v14 =	vadd.s32 v6, v14  }
0xe5: {  	v46 =	vand.u32 $0x7F, v6;
	v5 =	vsub.f32 v5, v13;
	v20 =	vadd.s32 $0x1000, v20  }
0xe6: {  	v9 =	vadd.s32 v3, v9;
	v58 =	vand.u32 $0x7F, v17;
	v21 =	vmul.f32 $3.125000000e-02, v21  }
0xe7: {  	v45 =	vand.u32 $0xFFFFFF80, v14;
	v18 =	vadd.s32 v16, v18;
	v49 =	vand.u32 $0x7F, v16  }
0xe8: {  	v52 =	vcvt.s32.f32 v16;
	v3 =	vadd.s32 v3, v15;
	v22 =	vmin.f32 v22, $2.047000000e+03  }
0xe9: {  	v6 =	vor.u32 v46, v45;
	v47 =	vmul.f32 $3.125000000e-02, v23;
	v22 =	vtrunc.f32 v22  }
0xea: {  	[tilespmem:v19+s2+$0x0] =	vst.idx.add.f32.msk $0xffff, v2;
	v50 =	vand.u32 $0xFFFFFF80, v18;
	v6 =	vadd.s32 $0x1000, v6;
	v48 =	vcvt.f32.s32 v22  }
0xeb: {  	v3 =	vadd.s32 v17, v3;
	v12 =	vsub.f32 v12, v21;
	v13 =	vor.u32 v49, v50  }
0xec: {  	[tilespmem:v10+s2+$0x0] =	vst.idx.add.f32.msk $0xffff, v5;
	v54 =	vmul.f32 $3.125000000e-02, v52;
	v4 =	vsub.f32 v4, v47;
	v9 =	vadd.s32 v48, v9  }
0xed: {  	v13 =	vadd.s32 $0x1000, v13;
	[tilespmem:v14+s2+$0x0] =	vst.idx.add.f32.msk $0xffff, v2;
	v51 =	vand.u32 $0x7F, v48;
	v55 =	vand.u32 $0xFFFFFF80, v9  }
0xee: {  	v57 =	vand.u32 $0xFFFFFF80, v3;
	[tilespmem:v20+s2+$0x0] =	vst.idx.add.f32.msk $0xffff, v12;
	v53 =	vcvt.s32.f32 v48;
	v56 =	vor.u32 v51, v55  }
0xef: {  	v59 =	vcvt.s32.f32 v17;
	s23 =	sadd.s32 $0x1, s23;
	[tilespmem:v6+s2+$0x0] =	vst.idx.add.f32.msk $0xffff, v4;
	v6 =	vor.u32 v58, v57;
	v4 =	vadd.s32 $0x1000, v56  }
0xf0: {  	p0 =	sne.s32 s23, $0x30;
	v5 =	vsub.f32 v7, v54;
	[tilespmem:v18+s2+$0x0] =	vst.idx.add.f32.msk $0xffff, v2;
	v60 =	vmul.f32 $3.125000000e-02, v53;
	v6 =	vadd.s32 $0x1000, v6  }
.Ltmp3:
0xf1: {  	v61 =	vmul.f32 $3.125000000e-02, v59;
	[tilespmem:v3+s2+$0x0] =	vst.idx.add.f32.msk $0xffff, v2;
	(pc) =	sbr.rel @p0 .LBB2_4-.Ltmp3, $4  }
0xf2: {  	[tilespmem:v13+s2+$0x0] =	vst.idx.add.f32.msk $0xffff, v5;
	v62 =	vsub.f32 v11, v60  }
0xf3: {  	v63 =	vsub.f32 v8, v61;
	[tilespmem:v9+s2+$0x0] =	vst.idx.add.f32.msk $0xffff, v2  }
0xf4: {  	[tilespmem:v4+s2+$0x0] =	vst.idx.add.f32.msk $0xffff, v62  }
0xf5: {  	[tilespmem:v6+s2+$0x0] =	vst.idx.add.f32.msk $0xffff, v63  }
0xf6: {  	s22 =	sadd.s32 $0x1, s22  }
0xf7: {  	p0 =	sne.s32 s22, s11  }
.Ltmp4:
0xf8: {  	_ = 	snop;
	(pc) =	sbr.rel @p0 .LBB2_1-.Ltmp4, $4  }
0xf9: {  	[hbm4b:s10+s12] =	stream.strided.scatter [tilespmem:s2], [sflag:$0x5], $0x18000, s13, s12, $0x38;
	[tilespmem:$0x1C000] =	vst v63  }
0xfa: {  	_ =	swait.ge [sflag:s21], $0x18000  }
0xfb: {  	[sflag:s21] =	ssyncset.done $0x0  }
0xfc: {  	[sflag:s21] =	ssyncadd.s32 $0xFFFE8000  }
0xfd: {  	_ =	sfence.sel $0x180000  }
0xfe: {  	[bflag:$0x0] =	sbarrier.arrive $0xFFFF  }
0xff: {  	p0 =	sne.s32 s0, $0x0;
	_ =	strace $0x9000004D  }
0x100: {  	s0 =	sadd.s32 @!p0 $0x100000, s1;
	[bflag:$0x2] =	sbarrier.arrive $0xFFFF  }
0x101: {  	[sflag:s0] =	ssyncadd.tile.s32 @!p0 $0x1;
	_ =	shalt  }
.Lfunc_end2:
_tile_overlayer_lowered:
.L_overlay_start_2:
0x102: {  	(tag) =	ssettag $0x2  }
0x103: {  	s0 =	rddreg [dreg:$0x0];
	s2 =	stileid.u32  }
0x104: {  	s1 =	rddreg [dreg:$0x1];
	p0 =	sne.s32 s2, $0x0  }
0x105: {  	s3 =	rddreg [dreg:$0x2];
	[bflag:$0x3] =	sbarrier.arrive $0xFFFF;
	s2 =	simm.s32 @!p0 $0x1C05  }
0x106: {  	[timem:s3], [sflag:s2] =	dma.local @!p0 [hbm:s0], s1  }
0x107: {  	s0 =	simm.s32 @!p0 $0x5  }
0x108: {  	_ =	swait.ge @!p0 [sflag:s0], s1  }
0x109: {  	s1 =	ssub.s32 @!p0 $0x0, s1;
	[sflag:s0] =	ssyncset.done @!p0 $0x0  }
0x10a: {  	[sflag:s0] =	ssyncadd.s32 @!p0 s1  }
0x10b: {  	[bflag:$0x3] =	sbarrier.arrive $0xFFFF  }
0x10c: {  	_ =	shalt  }

// kernel: sparse-core-data-format-call.1.cloned.1.call-start
scs
called_computation.1_lowered:
.L_overlay_start_0:
0x0: {  	s2 =	sld [smem:$0x3FD9]  }
0x1: {  	s3 =	sld [smem:$0x3FFE];
	_ =	sdelay $0x1  }
0x2: {  	s1 =	srdreg.scid  }
0x3: {  	s0 =	sand.u32 $0x1, s1  }
0x4: {  	s18 =	sshll.u32 s0, $0xA;
	s2 =	sadd.s32 s3, s2  }
0x5: {  	s2 =	sadd.s32 s2, s18  }
0x6: {  	[smem:$0x3FC5] =	sst s2  }
0x7: {  	_ = 	snop  }
0x8: {  	s2 =	sld [smem:$0x3FC9];
	(tm) =	ssettm $0x1  }
0x9: {  	s19 =	sld [smem:$0x3FFB];
	_ =	sdelay $0x3  }
0xa: {  	_ =	strace s19  }
0xb: {  	s3 =	sld [smem:$0x3FFC];
	_ =	sdelay $0x3  }
0xc: {  	_ =	strace s3  }
0xd: {  	s3 =	sld [smem:$0x3FFD];
	_ =	sdelay $0x3  }
0xe: {  	_ =	strace s3  }
0xf: {  	_ =	strace $0x8FFFFFFF  }
0x10: {  	s20 =	sld [smem:$0x3FDB];
	_ =	sdelay $0x1  }
0x11: {  	s4 =	simm.s32 $_scs_section_size  }
0x12: {  	s5 =	simm.s32 $_size__tile_overlayer_lowered;
	s6 =	simm.s32 $_tile_overlayer_lowered  }
0x13: {  	s23 =	simm.s32 $0x1BFF;
	s22 =	sshll.u32 s6, $0x1;
	s3 =	sadd.s32 s4, s20  }
0x14: {  	s7 =	simm.s32 $0x0;
	s21 =	sshll.u32 s5, $0x1;
	s5 =	sadd.s32 s22, s3  }
0x15: {  	[timem:s7], [sflag:s23] =	dma.local [hbm:s5], s21  }
0x16: {  	_ =	swait.ge [sflag:s23], s21  }
0x17: {  	s4 =	ssub.s32 $0x0, s21;
	[sflag:s23] =	ssyncset.done $0x0  }
0x18: {  	[sflag:s23] =	ssyncadd.s32 s4;
	_ =	sdelay $0x1  }
0x19: {  	s24 =	simm.s32 $0x1B8B  }
0x1a: {  	_ =	swait.ge [sflag:s24], $0x1  }
0x1b: {  	[sflag:s24] =	ssyncset.done $0x0  }
0x1c: {  	s26 =	simm.s32 $0x1B8E;
	s25 =	sld [smem:$0x3FFE];
	[sflag:s24] =	ssyncadd.s32 $0xFFFFFFFF  }
0x1d: {  	s27 =	simm.s32 $execute0_lowered;
	[smem:$0x3FD2] =	sst s26  }
0x1e: {  	s5 =	sshll.u32 s27, $0x1;
	_ =	strace $0x80000046;
	[dreg:$0x1] =	wrdreg $0xFFFFFFFF  }
0x1f: {  	s28 =	simm.s32 $_size_execute0_lowered;
	s3 =	sadd.s32 s3, s5;
	[dreg:$0x0] =	wrdreg $0x0  }
0x20: {  	s5 =	sshll.u32 s28, $0x1;
	[dreg:$0x2] =	wrdreg s3  }
0x21: {  	[dreg:$0x3] =	wrdreg s5  }
0x22: {  	[dreg:$0x4] =	wrdreg $0xC0  }
0x23: {  	_ =	task [dreg:s7], $0x5FFFF  }
0x24: {  	[dreg:$0x1] =	wrdreg $0xFFFFFFFF  }
0x25: {  	[dreg:$0x0] =	wrdreg $0x60  }
0x26: {  	[dreg:$0x2] =	wrdreg s2  }
0x27: {  	[dreg:$0x3] =	wrdreg s25  }
0x28: {  	[dreg:$0x4] =	wrdreg $0xA  }
0x29: {  	_ =	task.clear_ibuf [dreg:s7], $0x5FFFF;
	_ =	strace $0x90000046  }
0x2a: {  	s29 =	simm.s32 $0xA;
	_ =	strace $0x80000048  }
0x2b: {  	_ =	swait.ge [sflag:s29], $0x1  }
0x2c: {  	[sflag:s29] =	ssyncadd.s32 $0xFFFFFFFF  }
0x2d: {  	_ =	strace $0x90000048  }
0x2e: {  	_ =	sfence  }
0x2f: {  	s30 =	sld [smem:$0x0];
	_ =	sdelay $0x2  }
0x30: {  	s31 =	sshll.u32 s1, $0xD;
	s1 =	sshrl.u32 s1, $0x2  }
0x31: {  	s3 =	sand.u32 $0x4000, s31;
	s1 =	sadd.s32 s1, s30  }
0x32: {  	s0 =	sor.u32 s3, s0;
	s1 =	sshll.u32 s1, $0x11  }
0x33: {  	s0 =	sor.u32 s1, s0  }
0x34: {  	s0 =	sadd.s32 $0x8F2B, s0  }
0x35: {  	[sflag:s0] =	ssyncadd.remote.s32 $0x1  }
0x36: {  	_ =	sfence.sel $0xFFFF  }
0x37: {  	[dreg:$0x0] =	wrdreg $0xFFFFFFFF;
	(pc) =	sbr.abs _section_cstart, $3  }
0x38: {  	[dreg:$0x1] =	wrdreg $0xFFFFFFFF  }
0x39: {  	_ =	task.clear_ibuf [dreg:s7], $0x2FFFF;
	_ =	strace $0x9FFFFFFF  }
0x3a: {  	(tm) =	ssettm $0x7FFFFFFF  }
0x3b: {  	_ =	shalt  }
tec
execute0_lowered:
.L_overlay_start_1:
0x0: {  	(tag) =	ssettag $0x1  }
0x1: {  	s0 =	stileid.u32;
	s3 =	rddreg [dreg:$0x0]  }
0x2: {  	s1 =	srdreg.scid;
	s6 =	rddreg [dreg:$0x1]  }
0x3: {  	s8 =	simm.s32 $0x2;
	s2 =	sshll.u32 s0, $0x4;
	s1 =	sshll.u32 s1, $0x8  }
0x4: {  	s16 =	simm.s32 $0x0;
	s9 =	simm.s32 $0x1000;
	s1 =	sor.u32 s2, s1  }
0x5: {  	s10 =	simm.s32 $0x0;
	s17 =	simm.s32 $0x0;
	s2 =	sand.u32 $0x180, s1  }
0x6: {  	s19 =	simm.s32 $0x0;
	s18 =	simm.s32 $0x0;
	s1 =	ssub.s32 $0x200, s2  }
0x7: {  	s11 =	simm.s32 $0x0;
	s14 =	simm.s32 $0x0;
	s4 =	sand.u32 $0x180, s1  }
0x8: {  	s15 =	simm.s32 $0x0;
	p0 =	sne.s32 s4, $0x0;
	s4 =	simm.s32 $0x1  }
.Ltmp0:
0x9: {  	s5 =	sshrl.u32 s1, $0x9;
	s4 =	simm.s32 @!p0 $0x0;
	(pc) =	sbr.rel .LBB1_1-.Ltmp0, $4  }
0xa: {  	s7 =	sand.u32 $0x7, s0;
	s1 =	rddreg [dreg:$0x2];
	s5 =	sadd.s32 s4, s5  }
0xb: {  	_ =	strace $0x80000047;
	s4 =	simm.s32 $0x1;
	s5 =	smul.u32 $0x18, s5  }
0xc: {  	s6 =	sadd.s32 $0xE00, s6;
	s13 =	smov.u32 s7;
	[sflag:s4] =	ssyncpa.u1 $0x0  }
0xd: {  	s12 =	smov.u32 s2;
	[sflag:s8] =	ssyncpa.u1 $0x0;
	s8 =	sor.u32 $0x1, s5  }
.LBB1_4:
0xe: {  	_ =	sdelay $0x3  }
0xf: {  	[tilespmem:v0+s22+$0xFFFFFFA0 ss:$0x1] =	vst.idx.msk $0xffff, v6  }
0x10: {  	v56 =	vld.idx.msk [tilespmem:v1+s21+$0x30 ss:$0x1], $0xffff;
	[tilespmem:v0+s22+$0xFFFFFFB0 ss:$0x1] =	vst.idx.msk $0xffff, v4  }
0x11: {  	v57 =	vld.idx.msk [tilespmem:v1+s21+$0xFFFFFFC0 ss:$0x1], $0xffff;
	[tilespmem:v0+s22+$0xFFFFFFC0 ss:$0x1] =	vst.idx.msk $0xffff, v2  }
0x12: {  	v58 =	vld.idx.msk [tilespmem:v1+s21+$0xFFFFFFD0 ss:$0x1], $0xffff;
	[tilespmem:v0+s22+$0xFFFFFFD0 ss:$0x1] =	vst.idx.msk $0xffff, v3  }
0x13: {  	v59 =	vld.idx.msk [tilespmem:v1+s21+$0xFFFFFFE0 ss:$0x1], $0xffff;
	[tilespmem:v0+s22+$0xFFFFFFE0 ss:$0x1] =	vst.idx.msk $0xffff, v5  }
0x14: {  	v60 =	vld.idx.msk [tilespmem:v1+s21+$0xFFFFFFF0 ss:$0x1], $0xffff;
	[tilespmem:v0+s22+$0xFFFFFFF0 ss:$0x1] =	vst.idx.msk $0xffff, v7  }
0x15: {  	v61 =	vld.idx.msk [tilespmem:v1+s21+$0x0 ss:$0x1], $0xffff;
	[tilespmem:v0+s21+$0x0 ss:$0x1] =	vst.idx.msk $0xffff, v56  }
0x16: {  	v62 =	vld.idx.msk [tilespmem:v1+s21+$0x10 ss:$0x1], $0xffff;
	[tilespmem:v0+s21+$0xFFFFFF90 ss:$0x1] =	vst.idx.msk $0xffff, v57  }
0x17: {  	s19 =	sshll.u32 s19, $0x7;
	v63 =	vld.idx.msk [tilespmem:v1+s21+$0x20 ss:$0x1], $0xffff;
	s29 =	sand.u32 $0x78, s16;
	[tilespmem:v0+s21+$0xFFFFFFA0 ss:$0x1] =	vst.idx.msk $0xffff, v58  }
0x18: {  	s30 =	sshll.u32 s16, $0x3;
	s18 =	sshll.u32 s18, $0x12;
	s19 =	sand.u32 $0x380, s19;
	[tilespmem:v0+s21+$0xFFFFFFB0 ss:$0x1] =	vst.idx.msk $0xffff, v59  }
0x19: {  	s17 =	sshll.u32 s17, $0x9;
	s22 =	sand.u32 $0xC00, s30;
	s19 =	sor.u32 s29, s19;
	[tilespmem:v0+s21+$0xFFFFFFC0 ss:$0x1] =	vst.idx.msk $0xffff, v60  }
0x1a: {  	s31 =	sand.u32 $0x7, s16;
	s18 =	sadd.s32 s6, s18;
	s19 =	sor.u32 s22, s19;
	[tilespmem:v0+s21+$0xFFFFFFD0 ss:$0x1] =	vst.idx.msk $0xffff, v61  }
0x1b: {  	s16 =	sshll.u32 s31, $0x12;
	s17 =	sadd.s32 s17, s18;
	s19 =	sshrl.u32 s19, $0x3;
	[tilespmem:v0+s21+$0xFFFFFFE0 ss:$0x1] =	vst.idx.msk $0xffff, v62  }
0x1c: {  	s16 =	sor.u32 $0x80, s16;
	[tilespmem:v0+s21+$0xFFFFFFF0 ss:$0x1] =	vst.idx.msk $0xffff, v63;
	s17 =	sadd.s32 s19, s17  }
0x1d: {  	[hbm4b:s17+s16] =	stream.strided.scatter [tilespmem:s20], [sflag:$0x2], $0x4000, s9, s16, $0x38;
	[tilespmem:$0x10000] =	vst v63  }
.LBB1_5:
0x1e: {  	s20 =	sadd.s32 $0x80, s11  }
0x1f: {  	s16 =	sadd.s32 $0x200, s12;
	s21 =	smov.u32 s12;
	p1 =	sgt.s32 s20, $0x1FF  }
0x20: {  	s21 =	smov.u32 @p1 s16  }
0x21: {  	s22 =	smov.u32 s13;
	s16 =	sadd.s32 $0x8, s13;
	p2 =	sgt.s32 s21, $0x1FF  }
0x22: {  	s22 =	smov.u32 @p2 s16  }
0x23: {  	s16 =	simm.s32 $0x1;
	p3 =	sgt.s32 s22, $0x7  }
0x24: {  	s16 =	simm.s32 @!p3 $0x0  }
0x25: {  	p0 =	slt.u32 s15, $0x2;
	s24 =	sadd.s32 s16, s14  }
0x26: {  	s17 =	smov.u32 s12;
	s20 =	simm.s32 @p1 $0x0;
	p1 =	sgt.s32 s24, $0x5  }
0x27: {  	s23 =	simm.s32 @!p0 $0x2;
	s24 =	simm.s32 @p1 $0x0;
	p1 =	sne.s32 s15, s8  }
.Ltmp1:
0x28: {  	s19 =	smov.u32 s13;
	_ =	swait.ge @!p0 [sflag:s23], $0x4000;
	(pc) =	sbr.rel @!p1 .LBB1_6-.Ltmp1, $4  }
0x29: {  	s18 =	smov.u32 s14;
	[sflag:s23] =	ssyncset.done @!p0 $0x0;
	s21 =	smov.u32 @p2 s2  }
0x2a: {  	s10 =	sadd.s32 $0x4000, s10;
	[sflag:s23] =	ssyncadd.s32 @!p0 $0xFFFFC000;
	s12 =	smov.u32 s21  }
0x2b: {  	s22 =	smov.u32 @p3 s7;
	s16 =	smov.u32 s11;
	s11 =	smov.u32 s20  }
0x2c: {  	s13 =	smov.u32 s22;
	s15 =	sadd.s32 $0x1, s15;
	s14 =	smov.u32 s24  }
.LBB1_1:
0x2d: {  	p0 =	sge.u32 s15, s5;
	s31 =	sadd.s32 $0xFFFFFFFF, s15  }
0x2e: {  	s20 =	sxor.u32 @!p0 $0xFFFFFFFF, s15;
	s21 =	sand.u32 @!p0 $0x78, s11;
	s22 =	sshll.u32 @!p0 s12, $0x9  }
0x2f: {  	s23 =	sshll.u32 @!p0 s11, $0x3;
	s24 =	sshll.u32 @!p0 s12, $0x7;
	s20 =	sshll.u32 @!p0 s20, $0xE  }
0x30: {  	s22 =	sand.u32 @!p0 $0x3F000, s22;
	s23 =	sand.u32 @!p0 $0x3FC00, s23;
	s20 =	sand.u32 @!p0 $0x4000, s20  }
0x31: {  	s22 =	sadd.s32 @!p0 s22, s23;
	s23 =	sand.u32 @!p0 $0x200, s24;
	s24 =	sand.u32 @!p0 $0x180, s24  }
0x32: {  	s22 =	sor.u32 @!p0 s23, s22;
	s21 =	sor.u32 @!p0 s21, s24;
	s23 =	sshll.u32 @!p0 s14, $0x12  }
0x33: {  	s24 =	sshll.u32 @!p0 s13, $0xF;
	s22 =	sshrl.u32 @!p0 s22, $0x3;
	s23 =	sadd.s32 @!p0 s3, s23  }
0x34: {  	s21 =	sshrl.u32 @!p0 s21, $0x3;
	s23 =	sadd.s32 @!p0 s24, s23;
	s24 =	sand.u32 @!p0 $0x7, s11  }
0x35: {  	s22 =	sand.u32 @!p0 $0x7FC0, s22;
	s21 =	sadd.s32 @!p0 s21, s23;
	s23 =	sshll.u32 @!p0 s24, $0x12  }
0x36: {  	s21 =	sadd.s32 @!p0 s22, s21;
	s22 =	sor.u32 @!p0 $0x400, s23;
	s23 =	simm.s32 @!p0 $0x1000  }
0x37: {  	[tilespmem:s20], [sflag:$0x1] =	stream.strided.gather @!p0 [hbm4b:s21+s22], $0x4000, s23, s22, $0x38;
	[tilespmem:$0x10000] =	vst v63  }
0x38: {  	p0 =	sge.u32 s31, s5  }
.Ltmp2:
0x39: {  	_ = 	snop;
	(pc) =	sbr.rel @p0 .LBB1_5-.Ltmp2, $1  }
0x3a: {  	_ =	sdelay $0x3  }
0x3b: {  	s20 =	sand.u32 $0x4000, s10  }
0x3c: {  	s21 =	sor.u32 $0x40, s20  }
0x3d: {  	v1 =	vmov s21;
	_ =	sdelay $0x1  }
0x3e: {  	_ =	swait.ge [sflag:s4], $0x4000  }
0x3f: {  	[sflag:s4] =	ssyncset.done $0x0  }
0x40: {  	s22 =	simm.s32 $0x0;
	[sflag:s4] =	ssyncadd.s32 $0xFFFFC000  }
0x41: {  	s20 =	sor.u32 $0x8070, s20;
	v7 =	vld.idx.msk [tilespmem:v1+s22+$0x30 ss:$0x1], $0xffff  }
0x42: {  	v0 =	vmov s20;
	v8 =	vld.idx.msk [tilespmem:v1+s22+$0xFFFFFFC0 ss:$0x1], $0xffff  }
0x43: {  	v6 =	vld.idx.msk [tilespmem:v1+s22+$0xFFFFFFD0 ss:$0x1], $0xffff  }
0x44: {  	v4 =	vld.idx.msk [tilespmem:v1+s22+$0xFFFFFFE0 ss:$0x1], $0xffff  }
0x45: {  	v2 =	vld.idx.msk [tilespmem:v1+s22+$0xFFFFFFF0 ss:$0x1], $0xffff  }
0x46: {  	s31 =	sshll.u32 s15, $0xE;
	v3 =	vld.idx.msk [tilespmem:v1+s22+$0x0 ss:$0x1], $0xffff  }
0x47: {  	s20 =	sand.u32 $0x4000, s31;
	v5 =	vld.idx.msk [tilespmem:v1+s22+$0x10 ss:$0x1], $0xffff;
	[tilespmem:v0+s22+$0x0 ss:$0x1] =	vst.idx.msk $0xffff, v7  }
0x48: {  	s23 =	simm.s32 $0x400;
	s21 =	simm.s32 $0x80;
	s20 =	sor.u32 $0x8000, s20;
	[tilespmem:v0+s22+$0xFFFFFF90 ss:$0x1] =	vst.idx.msk $0xffff, v8;
	v7 =	vld.idx.msk [tilespmem:v1+s22+$0x20 ss:$0x1], $0xffff  }
.LBB1_3:
0x49: {  	p0 =	sne.s32 s23, $0xFE00;
	v8 =	vld.idx.msk [tilespmem:v1+s21+$0x30 ss:$0x1], $0xffff;
	[tilespmem:v0+s22+$0xFFFFFFA0 ss:$0x1] =	vst.idx.msk $0xffff, v6  }
0x4a: {  	v9 =	vld.idx.msk [tilespmem:v1+s21+$0xFFFFFFC0 ss:$0x1], $0xffff;
	[tilespmem:v0+s22+$0xFFFFFFB0 ss:$0x1] =	vst.idx.msk $0xffff, v4  }
0x4b: {  	v6 =	vld.idx.msk [tilespmem:v1+s21+$0xFFFFFFD0 ss:$0x1], $0xffff;
	[tilespmem:v0+s22+$0xFFFFFFC0 ss:$0x1] =	vst.idx.msk $0xffff, v2  }
.Ltmp3:
0x4c: {  	v4 =	vld.idx.msk [tilespmem:v1+s21+$0xFFFFFFE0 ss:$0x1], $0xffff;
	[tilespmem:v0+s22+$0xFFFFFFD0 ss:$0x1] =	vst.idx.msk $0xffff, v3;
	(pc) =	sbr.rel @p0 .LBB1_3-.Ltmp3, $4  }
0x4d: {  	v2 =	vld.idx.msk [tilespmem:v1+s21+$0xFFFFFFF0 ss:$0x1], $0xffff;
	[tilespmem:v0+s22+$0xFFFFFFE0 ss:$0x1] =	vst.idx.msk $0xffff, v5  }
0x4e: {  	v3 =	vld.idx.msk [tilespmem:v1+s21+$0x0 ss:$0x1], $0xffff;
	[tilespmem:v0+s22+$0xFFFFFFF0 ss:$0x1] =	vst.idx.msk $0xffff, v7;
	s22 =	smov.u32 s21  }
0x4f: {  	v5 =	vld.idx.msk [tilespmem:v1+s22+$0x10 ss:$0x1], $0xffff;
	[tilespmem:v0+s22+$0x0 ss:$0x1] =	vst.idx.msk $0xffff, v8  }
0x50: {  	s21 =	sshra.s32 s23, $0x2;
	s23 =	sadd.s32 $0x200, s23;
	[tilespmem:v0+s22+$0xFFFFFF90 ss:$0x1] =	vst.idx.msk $0xffff, v9;
	v7 =	vld.idx.msk [tilespmem:v1+s22+$0x20 ss:$0x1], $0xffff  }
.Ltmp4:
0x51: {  	_ = 	snop;
	(pc) =	sbr.rel .LBB1_4-.Ltmp4, $1  }
0x52: {  	_ =	sdelay $0x3  }
.LBB1_6:
0x53: {  	_ =	sfence.sel $0x180000  }
0x54: {  	s2 =	simm.s32 $0x1;
	[bflag:$0x0] =	sbarrier.arrive $0xFFFF  }
0x55: {  	s31 =	simm.s32 $0x2;
	[sflag:s2] =	ssyncpa.u1 $0x1  }
0x56: {  	[sflag:s31] =	ssyncpa.u1 $0x1  }
0x57: {  	p0 =	sne.s32 s0, $0x0;
	_ =	strace $0x90000047  }
0x58: {  	s0 =	sadd.s32 @!p0 $0x100000, s1;
	[bflag:$0x2] =	sbarrier.arrive $0xFFFF  }
0x59: {  	[sflag:s0] =	ssyncadd.tile.s32 @!p0 $0x1;
	_ =	shalt  }
.Lfunc_end1:
_tile_overlayer_lowered:
.L_overlay_start_2:
0x5a: {  	(tag) =	ssettag $0x2  }
0x5b: {  	s0 =	rddreg [dreg:$0x0];
	s2 =	stileid.u32  }
0x5c: {  	s1 =	rddreg [dreg:$0x1];
	p0 =	sne.s32 s2, $0x0  }
0x5d: {  	s3 =	rddreg [dreg:$0x2];
	[bflag:$0x3] =	sbarrier.arrive $0xFFFF;
	s2 =	simm.s32 @!p0 $0x1C01  }
0x5e: {  	[timem:s3], [sflag:s2] =	dma.local @!p0 [hbm:s0], s1  }
0x5f: {  	s0 =	simm.s32 @!p0 $0x1  }
0x60: {  	_ =	swait.ge @!p0 [sflag:s0], s1  }
0x61: {  	s1 =	ssub.s32 @!p0 $0x0, s1;
	[sflag:s0] =	ssyncset.done @!p0 $0x0  }
0x62: {  	[sflag:s0] =	ssyncadd.s32 @!p0 s1  }
0x63: {  	[bflag:$0x3] =	sbarrier.arrive $0xFFFF  }
0x64: {  	_ =	shalt  }

// kernel: sparse-core-data-format-call.cloned.1.call-start
scs
called_computation_lowered:
.L_overlay_start_0:
0x0: {  	s2 =	sld [smem:$0x3FD9]  }
0x1: {  	s3 =	sld [smem:$0x3FFE];
	_ =	sdelay $0x1  }
0x2: {  	s1 =	srdreg.scid  }
0x3: {  	s0 =	sand.u32 $0x1, s1  }
0x4: {  	s18 =	sshll.u32 s0, $0xA;
	s2 =	sadd.s32 s3, s2  }
0x5: {  	s2 =	sadd.s32 s2, s18  }
0x6: {  	[smem:$0x3FC5] =	sst s2  }
0x7: {  	_ = 	snop  }
0x8: {  	s19 =	sld [smem:$0x3FC8];
	(tm) =	ssettm $0x1  }
0x9: {  	s20 =	sld [smem:$0x3FFB];
	_ =	sdelay $0x3  }
0xa: {  	_ =	strace s20  }
0xb: {  	s2 =	sld [smem:$0x3FFC];
	_ =	sdelay $0x3  }
0xc: {  	_ =	strace s2  }
0xd: {  	s2 =	sld [smem:$0x3FFD];
	_ =	sdelay $0x3  }
0xe: {  	_ =	strace s2  }
0xf: {  	_ =	strace $0x8FFFFFFF  }
0x10: {  	s21 =	sld [smem:$0x3FDB];
	_ =	sdelay $0x1  }
0x11: {  	s4 =	simm.s32 $_scs_section_size  }
0x12: {  	s5 =	simm.s32 $_size__tile_overlayer_lowered;
	s6 =	simm.s32 $_tile_overlayer_lowered  }
0x13: {  	s7 =	simm.s32 $0x1BFF;
	s22 =	sshll.u32 s6, $0x1;
	s4 =	sadd.s32 s4, s21  }
0x14: {  	s23 =	simm.s32 $0x0;
	s5 =	sshll.u32 s5, $0x1;
	s6 =	sadd.s32 s22, s4  }
0x15: {  	[timem:s23], [sflag:s7] =	dma.local [hbm:s6], s5  }
0x16: {  	_ =	swait.ge [sflag:s7], s5  }
0x17: {  	s5 =	ssub.s32 $0x0, s5;
	[sflag:s7] =	ssyncset.done $0x0  }
0x18: {  	[sflag:s7] =	ssyncadd.s32 s5;
	_ =	sdelay $0x1  }
0x19: {  	s24 =	simm.s32 $0x1B8B  }
0x1a: {  	_ =	swait.ge [sflag:s24], $0x1  }
0x1b: {  	[sflag:s24] =	ssyncset.done $0x0  }
0x1c: {  	[sflag:s24] =	ssyncadd.s32 $0xFFFFFFFF  }
0x1d: {  	s5 =	sld [smem:$0x0]  }
0x1e: {  	s6 =	sand.u32 $0xFFFFFFFE, s1  }
0x1f: {  	p0 =	sne.s32 s1, s6  }
0x20: {  	s6 =	sshll.u32 @p0 s6, $0xE  }
0x21: {  	s6 =	sadd.s32 @p0 $0x11B8D, s6;
	s7 =	sshll.u32 @p0 s5, $0x11  }
0x22: {  	s6 =	sor.u32 @p0 s7, s6  }
0x23: {  	[sflag:s6] =	ssyncadd.remote.s32 @p0 $0x1;
	_ =	sdelay $0x1  }
0x24: {  	s6 =	simm.s32 @p0 $0x1B8D  }
0x25: {  	_ =	swait.eq @p0 [sflag:s6], $0x1  }
0x26: {  	[sflag:s6] =	ssyncadd.s32 @p0 $0xFFFFFFFF  }
0x27: {  	s7 =	sshll.u32 @!p0 s1, $0xE  }
0x28: {  	s7 =	sor.u32 @!p0 $0x4000, s7;
	s6 =	simm.s32 @!p0 $0x1B8D  }
0x29: {  	s5 =	sshll.u32 @!p0 s5, $0x11;
	s7 =	sadd.s32 @!p0 $0x11B8D, s7;
	_ =	swait.eq @!p0 [sflag:s6], $0x1  }
0x2a: {  	s5 =	sor.u32 @!p0 s5, s7;
	[sflag:s6] =	ssyncadd.s32 @!p0 $0xFFFFFFFF  }
0x2b: {  	s26 =	simm.s32 $0x1B8E;
	s25 =	sld [smem:$0x3FFE];
	[sflag:s5] =	ssyncadd.remote.s32 @!p0 $0x1  }
0x2c: {  	s27 =	simm.s32 $execute0_lowered;
	[smem:$0x3FD2] =	sst s26  }
0x2d: {  	s6 =	sshll.u32 s27, $0x1;
	_ =	strace $0x80000049;
	[dreg:$0x1] =	wrdreg $0xFFFFFFFF  }
0x2e: {  	s28 =	simm.s32 $_size_execute0_lowered;
	s4 =	sadd.s32 s4, s6;
	[dreg:$0x0] =	wrdreg $0x0  }
0x2f: {  	s6 =	sshll.u32 s28, $0x1;
	[dreg:$0x2] =	wrdreg s4  }
0x30: {  	[dreg:$0x3] =	wrdreg s6  }
0x31: {  	[dreg:$0x4] =	wrdreg $0xC0  }
0x32: {  	_ =	task [dreg:s23], $0x5FFFF  }
0x33: {  	[dreg:$0x1] =	wrdreg $0xFFFFFFFF  }
0x34: {  	[dreg:$0x0] =	wrdreg $0x60  }
0x35: {  	[dreg:$0x2] =	wrdreg s19  }
0x36: {  	[dreg:$0x3] =	wrdreg s25  }
0x37: {  	[dreg:$0x4] =	wrdreg $0x9  }
0x38: {  	_ =	task.clear_ibuf [dreg:s23], $0x5FFFF;
	_ =	strace $0x90000049  }
0x39: {  	s29 =	simm.s32 $0x9;
	_ =	strace $0x8000004B  }
0x3a: {  	_ =	swait.ge [sflag:s29], $0x1  }
0x3b: {  	[sflag:s29] =	ssyncadd.s32 $0xFFFFFFFF  }
0x3c: {  	_ =	strace $0x9000004B  }
0x3d: {  	_ =	sfence  }
0x3e: {  	s30 =	sld [smem:$0x0];
	_ =	sdelay $0x2  }
0x3f: {  	s31 =	sshll.u32 s1, $0xD;
	s1 =	sshrl.u32 s1, $0x2  }
0x40: {  	s4 =	sand.u32 $0x4000, s31;
	s1 =	sadd.s32 s1, s30  }
0x41: {  	s0 =	sor.u32 s4, s0;
	s1 =	sshll.u32 s1, $0x11  }
0x42: {  	s0 =	sor.u32 s1, s0  }
0x43: {  	s0 =	sadd.s32 $0x8F2B, s0  }
0x44: {  	[sflag:s0] =	ssyncadd.remote.s32 $0x1  }
0x45: {  	_ =	sfence.sel $0xFFFF  }
0x46: {  	[dreg:$0x0] =	wrdreg $0xFFFFFFFF;
	(pc) =	sbr.abs _section_cstart, $3  }
0x47: {  	[dreg:$0x1] =	wrdreg $0xFFFFFFFF  }
0x48: {  	_ =	task.clear_ibuf [dreg:s23], $0x2FFFF;
	_ =	strace $0x9FFFFFFF  }
0x49: {  	(tm) =	ssettm $0x7FFFFFFF  }
tec
execute0_lowered:
.L_overlay_start_1:
0x0: {  	(tag) =	ssettag $0x1  }
0x1: {  	s0 =	stileid.u32;
	s3 =	rddreg [dreg:$0x0]  }
0x2: {  	s1 =	srdreg.scid;
	s6 =	rddreg [dreg:$0x1]  }
0x3: {  	s8 =	simm.s32 $0x2;
	s2 =	sshll.u32 s0, $0x4;
	s1 =	sshll.u32 s1, $0x8  }
0x4: {  	s16 =	simm.s32 $0x0;
	s9 =	simm.s32 $0x1000;
	s1 =	sor.u32 s2, s1  }
0x5: {  	s10 =	simm.s32 $0x0;
	s17 =	simm.s32 $0x0;
	s2 =	sand.u32 $0x180, s1  }
0x6: {  	s19 =	simm.s32 $0x0;
	s18 =	simm.s32 $0x0;
	s1 =	ssub.s32 $0x200, s2  }
0x7: {  	s11 =	simm.s32 $0x0;
	s14 =	simm.s32 $0x0;
	s4 =	sand.u32 $0x180, s1  }
0x8: {  	s15 =	simm.s32 $0x0;
	p0 =	sne.s32 s4, $0x0;
	s4 =	simm.s32 $0x1  }
.Ltmp0:
0x9: {  	s5 =	sshrl.u32 s1, $0x9;
	s4 =	simm.s32 @!p0 $0x0;
	(pc) =	sbr.rel .LBB1_1-.Ltmp0, $4  }
0xa: {  	s7 =	sand.u32 $0x7, s0;
	s1 =	rddreg [dreg:$0x2];
	s5 =	sadd.s32 s4, s5  }
0xb: {  	_ =	strace $0x8000004A;
	s4 =	simm.s32 $0x1;
	s5 =	smul.u32 $0x18, s5  }
0xc: {  	s6 =	sadd.s32 $0x180E00, s6;
	s13 =	smov.u32 s7;
	[sflag:s4] =	ssyncpa.u1 $0x0  }
0xd: {  	s12 =	smov.u32 s2;
	[sflag:s8] =	ssyncpa.u1 $0x0;
	s8 =	sor.u32 $0x1, s5  }
.LBB1_4:
0xe: {  	_ =	sdelay $0x3  }
0xf: {  	[tilespmem:v0+s22+$0xFFFFFFA0 ss:$0x1] =	vst.idx.msk $0xffff, v6  }
0x10: {  	v56 =	vld.idx.msk [tilespmem:v1+s21+$0x30 ss:$0x1], $0xffff;
	[tilespmem:v0+s22+$0xFFFFFFB0 ss:$0x1] =	vst.idx.msk $0xffff, v4  }
0x11: {  	v57 =	vld.idx.msk [tilespmem:v1+s21+$0xFFFFFFC0 ss:$0x1], $0xffff;
	[tilespmem:v0+s22+$0xFFFFFFC0 ss:$0x1] =	vst.idx.msk $0xffff, v2  }
0x12: {  	v58 =	vld.idx.msk [tilespmem:v1+s21+$0xFFFFFFD0 ss:$0x1], $0xffff;
	[tilespmem:v0+s22+$0xFFFFFFD0 ss:$0x1] =	vst.idx.msk $0xffff, v3  }
0x13: {  	v59 =	vld.idx.msk [tilespmem:v1+s21+$0xFFFFFFE0 ss:$0x1], $0xffff;
	[tilespmem:v0+s22+$0xFFFFFFE0 ss:$0x1] =	vst.idx.msk $0xffff, v5  }
0x14: {  	v60 =	vld.idx.msk [tilespmem:v1+s21+$0xFFFFFFF0 ss:$0x1], $0xffff;
	[tilespmem:v0+s22+$0xFFFFFFF0 ss:$0x1] =	vst.idx.msk $0xffff, v7  }
0x15: {  	v61 =	vld.idx.msk [tilespmem:v1+s21+$0x0 ss:$0x1], $0xffff;
	[tilespmem:v0+s21+$0x0 ss:$0x1] =	vst.idx.msk $0xffff, v56  }
0x16: {  	v62 =	vld.idx.msk [tilespmem:v1+s21+$0x10 ss:$0x1], $0xffff;
	[tilespmem:v0+s21+$0xFFFFFF90 ss:$0x1] =	vst.idx.msk $0xffff, v57  }
0x17: {  	s19 =	sshll.u32 s19, $0x7;
	v63 =	vld.idx.msk [tilespmem:v1+s21+$0x20 ss:$0x1], $0xffff;
	s29 =	sand.u32 $0x78, s16;
	[tilespmem:v0+s21+$0xFFFFFFA0 ss:$0x1] =	vst.idx.msk $0xffff, v58  }
0x18: {  	s30 =	sshll.u32 s16, $0x3;
	s18 =	sshll.u32 s18, $0x12;
	s19 =	sand.u32 $0x380, s19;
	[tilespmem:v0+s21+$0xFFFFFFB0 ss:$0x1] =	vst.idx.msk $0xffff, v59  }
0x19: {  	s17 =	sshll.u32 s17, $0x9;
	s22 =	sand.u32 $0xC00, s30;
	s19 =	sor.u32 s29, s19;
	[tilespmem:v0+s21+$0xFFFFFFC0 ss:$0x1] =	vst.idx.msk $0xffff, v60  }
0x1a: {  	s31 =	sand.u32 $0x7, s16;
	s18 =	sadd.s32 s6, s18;
	s19 =	sor.u32 s22, s19;
	[tilespmem:v0+s21+$0xFFFFFFD0 ss:$0x1] =	vst.idx.msk $0xffff, v61  }
0x1b: {  	s16 =	sshll.u32 s31, $0x12;
	s17 =	sadd.s32 s17, s18;
	s19 =	sshrl.u32 s19, $0x3;
	[tilespmem:v0+s21+$0xFFFFFFE0 ss:$0x1] =	vst.idx.msk $0xffff, v62  }
0x1c: {  	s16 =	sor.u32 $0x80, s16;
	[tilespmem:v0+s21+$0xFFFFFFF0 ss:$0x1] =	vst.idx.msk $0xffff, v63;
	s17 =	sadd.s32 s19, s17  }
0x1d: {  	[hbm4b:s17+s16] =	stream.strided.scatter [tilespmem:s20], [sflag:$0x2], $0x4000, s9, s16, $0x38;
	[tilespmem:$0x10000] =	vst v63  }
.LBB1_5:
0x1e: {  	s20 =	sadd.s32 $0x80, s11  }
0x1f: {  	s16 =	sadd.s32 $0x200, s12;
	s21 =	smov.u32 s12;
	p1 =	sgt.s32 s20, $0x1FF  }
0x20: {  	s21 =	smov.u32 @p1 s16  }
0x21: {  	s22 =	smov.u32 s13;
	s16 =	sadd.s32 $0x8, s13;
	p2 =	sgt.s32 s21, $0x1FF  }
0x22: {  	s22 =	smov.u32 @p2 s16  }
0x23: {  	s16 =	simm.s32 $0x1;
	p3 =	sgt.s32 s22, $0x7  }
0x24: {  	s16 =	simm.s32 @!p3 $0x0  }
0x25: {  	p0 =	slt.u32 s15, $0x2;
	s24 =	sadd.s32 s16, s14  }
0x26: {  	s17 =	smov.u32 s12;
	s20 =	simm.s32 @p1 $0x0;
	p1 =	sgt.s32 s24, $0x5  }
0x27: {  	s23 =	simm.s32 @!p0 $0x2;
	s24 =	simm.s32 @p1 $0x0;
	p1 =	sne.s32 s15, s8  }
.Ltmp1:
0x28: {  	s19 =	smov.u32 s13;
	_ =	swait.ge @!p0 [sflag:s23], $0x4000;
	(pc) =	sbr.rel @!p1 .LBB1_6-.Ltmp1, $4  }
0x29: {  	s18 =	smov.u32 s14;
	[sflag:s23] =	ssyncset.done @!p0 $0x0;
	s21 =	smov.u32 @p2 s2  }
0x2a: {  	s10 =	sadd.s32 $0x4000, s10;
	[sflag:s23] =	ssyncadd.s32 @!p0 $0xFFFFC000;
	s12 =	smov.u32 s21  }
0x2b: {  	s22 =	smov.u32 @p3 s7;
	s16 =	smov.u32 s11;
	s11 =	smov.u32 s20  }
0x2c: {  	s13 =	smov.u32 s22;
	s15 =	sadd.s32 $0x1, s15;
	s14 =	smov.u32 s24  }
.LBB1_1:
0x2d: {  	p0 =	sge.u32 s15, s5;
	s31 =	sadd.s32 $0xFFFFFFFF, s15  }
0x2e: {  	s20 =	sxor.u32 @!p0 $0xFFFFFFFF, s15;
	s21 =	sand.u32 @!p0 $0x78, s11;
	s22 =	sshll.u32 @!p0 s12, $0x9  }
0x2f: {  	s23 =	sshll.u32 @!p0 s11, $0x3;
	s24 =	sshll.u32 @!p0 s12, $0x7;
	s20 =	sshll.u32 @!p0 s20, $0xE  }
0x30: {  	s22 =	sand.u32 @!p0 $0x3F000, s22;
	s23 =	sand.u32 @!p0 $0x3FC00, s23;
	s20 =	sand.u32 @!p0 $0x4000, s20  }
0x31: {  	s22 =	sadd.s32 @!p0 s22, s23;
	s23 =	sand.u32 @!p0 $0x200, s24;
	s24 =	sand.u32 @!p0 $0x180, s24  }
0x32: {  	s22 =	sor.u32 @!p0 s23, s22;
	s21 =	sor.u32 @!p0 s21, s24;
	s23 =	sshll.u32 @!p0 s14, $0x12  }
0x33: {  	s24 =	sshll.u32 @!p0 s13, $0xF;
	s22 =	sshrl.u32 @!p0 s22, $0x3;
	s23 =	sadd.s32 @!p0 s3, s23  }
0x34: {  	s21 =	sshrl.u32 @!p0 s21, $0x3;
	s23 =	sadd.s32 @!p0 s24, s23;
	s24 =	sand.u32 @!p0 $0x7, s11  }
0x35: {  	s22 =	sand.u32 @!p0 $0x7FC0, s22;
	s21 =	sadd.s32 @!p0 s21, s23;
	s23 =	sshll.u32 @!p0 s24, $0x12  }
0x36: {  	s21 =	sadd.s32 @!p0 s22, s21;
	s22 =	sor.u32 @!p0 $0x400, s23;
	s23 =	simm.s32 @!p0 $0x1000  }
0x37: {  	[tilespmem:s20], [sflag:$0x1] =	stream.strided.gather @!p0 [hbm4b:s21+s22], $0x4000, s23, s22, $0x38;
	[tilespmem:$0x10000] =	vst v63  }
0x38: {  	p0 =	sge.u32 s31, s5  }
.Ltmp2:
0x39: {  	_ = 	snop;
	(pc) =	sbr.rel @p0 .LBB1_5-.Ltmp2, $1  }
0x3a: {  	_ =	sdelay $0x3  }
0x3b: {  	s20 =	sand.u32 $0x4000, s10  }
0x3c: {  	s21 =	sor.u32 $0x40, s20  }
0x3d: {  	v1 =	vmov s21;
	_ =	sdelay $0x1  }
0x3e: {  	_ =	swait.ge [sflag:s4], $0x4000  }
0x3f: {  	[sflag:s4] =	ssyncset.done $0x0  }
0x40: {  	s22 =	simm.s32 $0x0;
	[sflag:s4] =	ssyncadd.s32 $0xFFFFC000  }
0x41: {  	s20 =	sor.u32 $0x8070, s20;
	v7 =	vld.idx.msk [tilespmem:v1+s22+$0x30 ss:$0x1], $0xffff  }
0x42: {  	v0 =	vmov s20;
	v8 =	vld.idx.msk [tilespmem:v1+s22+$0xFFFFFFC0 ss:$0x1], $0xffff  }
0x43: {  	v6 =	vld.idx.msk [tilespmem:v1+s22+$0xFFFFFFD0 ss:$0x1], $0xffff  }
0x44: {  	v4 =	vld.idx.msk [tilespmem:v1+s22+$0xFFFFFFE0 ss:$0x1], $0xffff  }
0x45: {  	v2 =	vld.idx.msk [tilespmem:v1+s22+$0xFFFFFFF0 ss:$0x1], $0xffff  }
0x46: {  	s31 =	sshll.u32 s15, $0xE;
	v3 =	vld.idx.msk [tilespmem:v1+s22+$0x0 ss:$0x1], $0xffff  }
0x47: {  	s20 =	sand.u32 $0x4000, s31;
	v5 =	vld.idx.msk [tilespmem:v1+s22+$0x10 ss:$0x1], $0xffff;
	[tilespmem:v0+s22+$0x0 ss:$0x1] =	vst.idx.msk $0xffff, v7  }
0x48: {  	s23 =	simm.s32 $0x400;
	s21 =	simm.s32 $0x80;
	s20 =	sor.u32 $0x8000, s20;
	[tilespmem:v0+s22+$0xFFFFFF90 ss:$0x1] =	vst.idx.msk $0xffff, v8;
	v7 =	vld.idx.msk [tilespmem:v1+s22+$0x20 ss:$0x1], $0xffff  }
.LBB1_3:
0x49: {  	p0 =	sne.s32 s23, $0xFE00;
	v8 =	vld.idx.msk [tilespmem:v1+s21+$0x30 ss:$0x1], $0xffff;
	[tilespmem:v0+s22+$0xFFFFFFA0 ss:$0x1] =	vst.idx.msk $0xffff, v6  }
0x4a: {  	v9 =	vld.idx.msk [tilespmem:v1+s21+$0xFFFFFFC0 ss:$0x1], $0xffff;
	[tilespmem:v0+s22+$0xFFFFFFB0 ss:$0x1] =	vst.idx.msk $0xffff, v4  }
0x4b: {  	v6 =	vld.idx.msk [tilespmem:v1+s21+$0xFFFFFFD0 ss:$0x1], $0xffff;
	[tilespmem:v0+s22+$0xFFFFFFC0 ss:$0x1] =	vst.idx.msk $0xffff, v2  }
.Ltmp3:
0x4c: {  	v4 =	vld.idx.msk [tilespmem:v1+s21+$0xFFFFFFE0 ss:$0x1], $0xffff;
	[tilespmem:v0+s22+$0xFFFFFFD0 ss:$0x1] =	vst.idx.msk $0xffff, v3;
	(pc) =	sbr.rel @p0 .LBB1_3-.Ltmp3, $4  }
0x4d: {  	v2 =	vld.idx.msk [tilespmem:v1+s21+$0xFFFFFFF0 ss:$0x1], $0xffff;
	[tilespmem:v0+s22+$0xFFFFFFE0 ss:$0x1] =	vst.idx.msk $0xffff, v5  }
0x4e: {  	v3 =	vld.idx.msk [tilespmem:v1+s21+$0x0 ss:$0x1], $0xffff;
	[tilespmem:v0+s22+$0xFFFFFFF0 ss:$0x1] =	vst.idx.msk $0xffff, v7;
	s22 =	smov.u32 s21  }
0x4f: {  	v5 =	vld.idx.msk [tilespmem:v1+s22+$0x10 ss:$0x1], $0xffff;
	[tilespmem:v0+s22+$0x0 ss:$0x1] =	vst.idx.msk $0xffff, v8  }
0x50: {  	s21 =	sshra.s32 s23, $0x2;
	s23 =	sadd.s32 $0x200, s23;
	[tilespmem:v0+s22+$0xFFFFFF90 ss:$0x1] =	vst.idx.msk $0xffff, v9;
	v7 =	vld.idx.msk [tilespmem:v1+s22+$0x20 ss:$0x1], $0xffff  }
.Ltmp4:
0x51: {  	_ = 	snop;
	(pc) =	sbr.rel .LBB1_4-.Ltmp4, $1  }
0x52: {  	_ =	sdelay $0x3  }
.LBB1_6:
0x53: {  	_ =	sfence.sel $0x180000  }
0x54: {  	s2 =	simm.s32 $0x1;
	[bflag:$0x0] =	sbarrier.arrive $0xFFFF  }
0x55: {  	s31 =	simm.s32 $0x2;
	[sflag:s2] =	ssyncpa.u1 $0x1  }
0x56: {  	[sflag:s31] =	ssyncpa.u1 $0x1  }
0x57: {  	p0 =	sne.s32 s0, $0x0;
	_ =	strace $0x9000004A  }
0x58: {  	s0 =	sadd.s32 @!p0 $0x100000, s1;
	[bflag:$0x2] =	sbarrier.arrive $0xFFFF  }
0x59: {  	[sflag:s0] =	ssyncadd.tile.s32 @!p0 $0x1;
	_ =	shalt  }
.Lfunc_end1:
_tile_overlayer_lowered:
.L_overlay_start_2:
0x5a: {  	(tag) =	ssettag $0x2  }
0x5b: {  	s0 =	rddreg [dreg:$0x0];
	s2 =	stileid.u32  }
0x5c: {  	s1 =	rddreg [dreg:$0x1];
	p0 =	sne.s32 s2, $0x0  }
0x5d: {  	s3 =	rddreg [dreg:$0x2];
	[bflag:$0x3] =	sbarrier.arrive $0xFFFF;
	s2 =	simm.s32 @!p0 $0x1C01  }
0x5e: {  	[timem:s3], [sflag:s2] =	dma.local @!p0 [hbm:s0], s1  }
0x5f: {  	s0 =	simm.s32 @!p0 $0x1  }
0x60: {  	_ =	swait.ge @!p0 [sflag:s0], s1  }
0x61: {  	s1 =	ssub.s32 @!p0 $0x0, s1;
	[sflag:s0] =	ssyncset.done @!p0 $0x0  }
0x62: {  	[sflag:s0] =	ssyncadd.s32 @!p0 s1  }
0x63: {  	[bflag:$0x3] =	sbarrier.arrive $0xFFFF  }
0x64: {  	_ =	shalt  }

</sc_bundles>
